<compile_context>
chip_gen: v7x
topology: tpu7x:2x2x1
jax: 0.10.2.dev20260603
libtpu: 0.0.44.dev20260713+nightly
codegen_flags: <defaults>
</compile_context>

<pallas_src>
import functools

import jax
import jax.numpy as jnp
from jax import lax
from jax.experimental import pallas as pl
from jax.experimental.pallas import tpu as pltpu
from jax.experimental.pallas import tpu_sc as plsc

N = 10000
E = 320000
D = 128
DE = 16
H = 128

NC = 2
NS = 16
NW = NC * NS
EPT = E // NW
BLK = 40
NBLK = EPT // BLK
RPT = 624
RTAIL = N - NS * RPT


def _yz_body(x_ref, wx_ref, y_ref):
    y_ref[...] = jnp.dot(x_ref[...], wx_ref[...],
                         preferred_element_type=jnp.float32)


def _tc_y(x, wxt):
    return pl.pallas_call(
        _yz_body,
        out_shape=jax.ShapeDtypeStruct((N, H), jnp.float32),
    )(x, wxt)


def _z_body(e_ref, we_ref, b_ref, z_ref):
    z_ref[...] = jnp.dot(e_ref[...], we_ref[...],
                         preferred_element_type=jnp.float32) + b_ref[...]


def _tc_z(edge_attr, wet, b2d):
    be_blk = 8000
    return pl.pallas_call(
        _z_body,
        grid=(E // be_blk,),
        in_specs=[
            pl.BlockSpec((be_blk, DE), lambda i: (i, 0)),
            pl.BlockSpec((DE, H), lambda i: (0, 0)),
            pl.BlockSpec((1, H), lambda i: (0, 0)),
        ],
        out_specs=pl.BlockSpec((be_blk, H), lambda i: (i, 0)),
        out_shape=jax.ShapeDtypeStruct((E, H), jnp.float32),
    )(edge_attr, wet, b2d)


def _sc_body(src_hbm, dst_hbm, y_hbm, z_hbm, zero_hbm, out_hbm,
             idxs_v, idxd_v, yrow2, zbuf2, msg2, agg_sh,
             sg0, sg1, sz0, sz1, ss0, ss1):
    c = lax.axis_index("c")
    s = lax.axis_index("s")
    wid = s * NC + c
    base0 = wid * EPT
    sg = (sg0, sg1)
    sz = (sz0, sz1)
    ss = (ss0, ss1)

    pltpu.sync_copy(src_hbm.at[pl.ds(base0, EPT)], idxs_v)
    pltpu.sync_copy(dst_hbm.at[pl.ds(base0, EPT)], idxd_v)
    row0 = pl.multiple_of(s * RPT, 8)
    pltpu.sync_copy(zero_hbm.at[pl.ds(row0, RPT)],
                    agg_sh.at[pl.ds(row0, RPT)])

    @pl.when(s == 0)
    def _():
        pltpu.sync_copy(zero_hbm.at[pl.ds(NS * RPT, RTAIL)],
                        agg_sh.at[pl.ds(NS * RPT, RTAIL)])
    plsc.subcore_barrier()

    def isl(i):
        return pl.ds(pl.multiple_of(i * BLK, 8), BLK)

    def g_desc(i, b):
        return pltpu.make_async_copy(y_hbm.at[idxs_v.at[isl(i)]],
                                     yrow2.at[b], sg[b])

    def z_desc(i, b):
        return pltpu.make_async_copy(
            z_hbm.at[pl.ds(pl.multiple_of(base0 + i * BLK, 8), BLK)],
            zbuf2.at[b], sz[b])

    def s_desc(i, b):
        return pltpu.make_async_copy(msg2.at[b],
                                     agg_sh.at[idxd_v.at[isl(i)]], ss[b])

    def compute(b):
        def row(r, carry):
            for j in range(H // 16):
                sl = pl.ds(j * 16, 16)
                v = yrow2[b, r, sl] + zbuf2[b, r, sl]
                msg2[b, r, sl] = jnp.maximum(v, 0.0)
            return carry
        lax.fori_loop(0, BLK, row, 0, unroll=2)

    for b in (0, 1):
        g_desc(b, b).start()
        z_desc(b, b).start()

    def pair(k, carry):
        for b in (0, 1):
            i = 2 * k + b

            @pl.when(k >= 1)
            def _():
                s_desc(i - 2, b).wait()

            g_desc(i, b).wait()
            z_desc(i, b).wait()
            compute(b)
            s_desc(i, b).start(add=True)

            @pl.when(i + 2 < NBLK)
            def _():
                g_desc(i + 2, b).start()
                z_desc(i + 2, b).start()
        return carry
    lax.fori_loop(0, NBLK // 2, pair, 0)

    s_desc(NBLK - 2, 0).wait()
    s_desc(NBLK - 1, 1).wait()
    plsc.subcore_barrier()

    pltpu.sync_copy(agg_sh.at[pl.ds(row0, RPT)],
                    out_hbm.at[c, pl.ds(row0, RPT)])

    @pl.when(s == 0)
    def _():
        pltpu.sync_copy(agg_sh.at[pl.ds(NS * RPT, RTAIL)],
                        out_hbm.at[c, pl.ds(NS * RPT, RTAIL)])


@functools.cache
def _sc_agg():
    return pl.kernel(
        _sc_body,
        out_type=jax.ShapeDtypeStruct((NC, N, H), jnp.float32),
        mesh=plsc.VectorSubcoreMesh(core_axis_name="c", subcore_axis_name="s",
                                    num_cores=NC, num_subcores=NS),
        scratch_types=[
            pltpu.VMEM((EPT,), jnp.int32),
            pltpu.VMEM((EPT,), jnp.int32),
            pltpu.VMEM((2, BLK, H), jnp.float32),
            pltpu.VMEM((2, BLK, H), jnp.float32),
            pltpu.VMEM((2, BLK, H), jnp.float32),
            pltpu.VMEM_SHARED((N, H), jnp.float32),
            pltpu.SemaphoreType.DMA,
            pltpu.SemaphoreType.DMA,
            pltpu.SemaphoreType.DMA,
            pltpu.SemaphoreType.DMA,
            pltpu.SemaphoreType.DMA,
            pltpu.SemaphoreType.DMA,
        ],
    )


def _final_body(x_ref, agg_ref, w1_ref, w2_ref, g_ref, b_ref, out_ref):
    pre = x_ref[...] + agg_ref[0] + agg_ref[1]
    h1 = jnp.dot(pre, w1_ref[...], preferred_element_type=jnp.float32)
    mean = jnp.mean(h1, axis=0, keepdims=True)
    var = jnp.mean((h1 - mean) ** 2, axis=0, keepdims=True)
    hn = (h1 - mean) * jax.lax.rsqrt(var + 1e-5) * g_ref[...] + b_ref[...]
    h = jnp.maximum(hn, 0.0)
    out_ref[...] = jnp.dot(h, w2_ref[...], preferred_element_type=jnp.float32)


def _tc_final(x, agg, w1t, w2t, g2d, b2d):
    return pl.pallas_call(
        _final_body,
        out_shape=jax.ShapeDtypeStruct((N, D), jnp.float32),
    )(x, agg, w1t, w2t, g2d, b2d)


def kernel(x, edge_index, edge_attr, We, be, W1, W2, gamma, beta):
    src = edge_index[0]
    dst = edge_index[1]
    wxt = We[:, :D].T
    wet = We[:, D:].T
    y = _tc_y(x, wxt)
    z = _tc_z(edge_attr, wet, be.reshape(1, H))
    zero = jnp.zeros((N, H), jnp.float32)
    agg = _sc_agg()(src, dst, y, z, zero)
    return _tc_final(x, agg, W1.T, W2.T,
                     gamma.reshape(1, H), beta.reshape(1, H))

# --- scband reference (transcript-rebuilt; emitter-appended) ---
"""Pipeline reference for scband-graph-model-88338887344743 (READ-ONLY COPY).

The authoritative reference and input builder live on the scoring server;
editing this copy changes nothing except your own understanding.
"""

import jax, jax.numpy as jnp
import numpy as np

N = 10000
E = 320000
D = 128
DE = 16
H = 128


def setup_inputs(seed: int = 0) -> dict:
    key = jax.random.key(seed)
    k1, k2, k3, k4, k5, k6 = jax.random.split(key, 6)
    x = jax.random.normal(k1, (N, D), dtype=jnp.float32)
    edge_index = jax.random.randint(k2, (2, E), 0, N, dtype=jnp.int32)
    edge_attr = jax.random.normal(k3, (E, DE), dtype=jnp.float32)
    # edge_linear: Linear(hidden_dim + edge_dim, hidden_dim)
    We = jax.random.normal(k4, (H, D + DE), dtype=jnp.float32) * 0.05
    be = jnp.zeros((H,), dtype=jnp.float32)
    # MLP aggregator: two bias-free linears with batchnorm in between
    W1 = jax.random.normal(k5, (H, D), dtype=jnp.float32) * 0.05
    W2 = jax.random.normal(k6, (D, H), dtype=jnp.float32) * 0.05
    gamma = jnp.ones((H,), dtype=jnp.float32)
    beta = jnp.zeros((H,), dtype=jnp.float32)
    return {"x": x, "edge_index": edge_index, "edge_attr": edge_attr,
            "We": We, "be": be, "W1": W1, "W2": W2,
            "gamma": gamma, "beta": beta}


def reference(x, edge_index, edge_attr, We, be, W1, W2, gamma, beta):
    # GIN with edge features (NodeAggregateGIN):
    # h_i' = MLP((1+eps) h_i + sum_{j in N(i)} ReLU(edge_linear([h_j || e_ji])))
    src = edge_index[0]
    dst = edge_index[1]
    h_src = jnp.take(x, src, axis=0)                      # gather [E, D]
    msg_in = jnp.concatenate([h_src, edge_attr], axis=1)  # [E, D+DE]
    msg = jax.nn.relu(msg_in @ We.T + be)                 # [E, H]
    agg = jax.ops.segment_sum(msg, dst, num_segments=N)   # scatter-add [N, H]
    eps = 0.0  # registered buffer, learn_eps=False
    pre = (1.0 + eps) * x + agg
    # MLP with batchnorm (training-mode batch statistics)
    h1 = pre @ W1.T
    mean = jnp.mean(h1, axis=0)
    var = jnp.var(h1, axis=0)
    hn = (h1 - mean) / jnp.sqrt(var + 1e-5) * gamma + beta
    h = jax.nn.relu(hn)
    out = h @ W2.T
    return out

if __name__ == "__main__":
    import jax
    _d = setup_inputs()
    print(jax.jit(kernel)(*tuple(_d.values())))

</pallas_src>

<mosaic_0001>
#map = affine_map<(d0, d1) -> (0)>
#map1 = affine_map<(d0, d1) -> (0, 0)>
#map2 = affine_map<(d0, d1) -> (0, 0, 0)>
module attributes {stable_mosaic.version = 14 : i64} {
  func.func @_sc_body(%arg0: i32, %arg1: i32, %arg2: memref<320000xi32, #tpu.memory_space<hbm>>, %arg3: memref<320000xi32, #tpu.memory_space<hbm>>, %arg4: memref<10000x128xf32, #tpu.memory_space<hbm>>, %arg5: memref<320000x128xf32, #tpu.memory_space<hbm>>, %arg6: memref<10000x128xf32, #tpu.memory_space<hbm>>, %arg7: memref<2x10000x128xf32, #tpu.memory_space<hbm>>, %arg8: memref<10000xi32, #tpu.memory_space<vmem>>, %arg9: memref<10000xi32, #tpu.memory_space<vmem>>, %arg10: memref<2x40x128xf32, #tpu.memory_space<vmem>>, %arg11: memref<2x40x128xf32, #tpu.memory_space<vmem>>, %arg12: memref<2x40x128xf32, #tpu.memory_space<vmem>>, %arg13: memref<10000x128xf32, #tpu.memory_space<vmem_shared>>, %arg14: memref<!tpu.dma_semaphore, #tpu.memory_space<semaphore_mem>>, %arg15: memref<!tpu.dma_semaphore, #tpu.memory_space<semaphore_mem>>, %arg16: memref<!tpu.dma_semaphore, #tpu.memory_space<semaphore_mem>>, %arg17: memref<!tpu.dma_semaphore, #tpu.memory_space<semaphore_mem>>, %arg18: memref<!tpu.dma_semaphore, #tpu.memory_space<semaphore_mem>>, %arg19: memref<!tpu.dma_semaphore, #tpu.memory_space<semaphore_mem>>) attributes {dimension_semantics = [#tpu.dimension_semantics<core_parallel>, #tpu.dimension_semantics<subcore_parallel>], iteration_bounds = array<i64: 2, 16>, scalar_prefetch = 0 : i64, scratch_operands = 12 : i64, tpu.core_type = #tpu.core_type<sc_vector_subcore>, window_params = [{transform_indices = #map}, {transform_indices = #map}, {transform_indices = #map1}, {transform_indices = #map1}, {transform_indices = #map1}, {transform_indices = #map2}]} {
    %mul3A = arith.constant 2 : i32
    %mul3A_0 = arith.muli %arg1, %mul3A : i32
    %add3A = arith.addi %mul3A_0, %arg0 : i32
    %mul3A_1 = arith.constant 10000 : i32
    %mul3A_2 = arith.muli %add3A, %mul3A_1 : i32
    "tpu.region"() ({
      %run_scoped3A = tpu.sem_alloc : memref<!tpu.dma_semaphore, #tpu.memory_space<semaphore_mem>>
      %dma_start3A_92 = tpu.memref_slice %arg2[%mul3A_2] : memref<320000xi32, #tpu.memory_space<hbm>> -> memref<10000xi32, #tpu.memory_space<hbm>>
      %dma_start3A_93 = tpu.memref_slice %arg2[%mul3A_2] : memref<320000xi32, #tpu.memory_space<hbm>> -> memref<10000xi32, #tpu.memory_space<hbm>>
      tpu.enqueue_dma source(%dma_start3A_93 : memref<10000xi32, #tpu.memory_space<hbm>>) target(%arg8 : memref<10000xi32, #tpu.memory_space<vmem>>) target_semaphore(%run_scoped3A : memref<!tpu.dma_semaphore, #tpu.memory_space<semaphore_mem>>)
      %dma_wait3A_94 = tpu.memref_slice %arg2[%mul3A_2] : memref<320000xi32, #tpu.memory_space<hbm>> -> memref<10000xi32, #tpu.memory_space<hbm>>
      %dma_wait3A_95 = tpu.memref_slice %arg2[%mul3A_2] : memref<320000xi32, #tpu.memory_space<hbm>> -> memref<10000xi32, #tpu.memory_space<hbm>>
      tpu.wait_dma2 semaphore(%run_scoped3A : memref<!tpu.dma_semaphore, #tpu.memory_space<semaphore_mem>>) src(%dma_wait3A_95 : memref<10000xi32, #tpu.memory_space<hbm>>) dst(%arg8 : memref<10000xi32, #tpu.memory_space<vmem>>)
      tpu.yield
    }) : () -> ()
    "tpu.region"() ({
      %run_scoped3A = tpu.sem_alloc : memref<!tpu.dma_semaphore, #tpu.memory_space<semaphore_mem>>
      %dma_start3A_92 = tpu.memref_slice %arg3[%mul3A_2] : memref<320000xi32, #tpu.memory_space<hbm>> -> memref<10000xi32, #tpu.memory_space<hbm>>
      %dma_start3A_93 = tpu.memref_slice %arg3[%mul3A_2] : memref<320000xi32, #tpu.memory_space<hbm>> -> memref<10000xi32, #tpu.memory_space<hbm>>
      tpu.enqueue_dma source(%dma_start3A_93 : memref<10000xi32, #tpu.memory_space<hbm>>) target(%arg9 : memref<10000xi32, #tpu.memory_space<vmem>>) target_semaphore(%run_scoped3A : memref<!tpu.dma_semaphore, #tpu.memory_space<semaphore_mem>>)
      %dma_wait3A_94 = tpu.memref_slice %arg3[%mul3A_2] : memref<320000xi32, #tpu.memory_space<hbm>> -> memref<10000xi32, #tpu.memory_space<hbm>>
      %dma_wait3A_95 = tpu.memref_slice %arg3[%mul3A_2] : memref<320000xi32, #tpu.memory_space<hbm>> -> memref<10000xi32, #tpu.memory_space<hbm>>
      tpu.wait_dma2 semaphore(%run_scoped3A : memref<!tpu.dma_semaphore, #tpu.memory_space<semaphore_mem>>) src(%dma_wait3A_95 : memref<10000xi32, #tpu.memory_space<hbm>>) dst(%arg9 : memref<10000xi32, #tpu.memory_space<vmem>>)
      tpu.yield
    }) : () -> ()
    %mul3A_3 = arith.constant 624 : i32
    %mul3A_4 = arith.muli %arg1, %mul3A_3 : i32
    %multiple_of3A = tpu.assume_multiple %mul3A_4, 8 : i32
    "tpu.region"() ({
      %run_scoped3A = tpu.sem_alloc : memref<!tpu.dma_semaphore, #tpu.memory_space<semaphore_mem>>
      %dma_start3A_92 = arith.constant 0 : i32
      %dma_start3A_93 = tpu.memref_slice %arg13[%multiple_of3A, %dma_start3A_92] : memref<10000x128xf32, #tpu.memory_space<vmem_shared>> -> memref<624x128xf32, #tpu.memory_space<vmem_shared>>
      %dma_start3A_94 = arith.constant 0 : i32
      %dma_start3A_95 = tpu.memref_slice %arg6[%multiple_of3A, %dma_start3A_94] : memref<10000x128xf32, #tpu.memory_space<hbm>> -> memref<624x128xf32, #tpu.memory_space<hbm>>
      tpu.enqueue_dma source(%dma_start3A_95 : memref<624x128xf32, #tpu.memory_space<hbm>>) target(%dma_start3A_93 : memref<624x128xf32, #tpu.memory_space<vmem_shared>>) target_semaphore(%run_scoped3A : memref<!tpu.dma_semaphore, #tpu.memory_space<semaphore_mem>>)
      %dma_wait3A_96 = arith.constant 0 : i32
      %dma_wait3A_97 = tpu.memref_slice %arg13[%multiple_of3A, %dma_wait3A_96] : memref<10000x128xf32, #tpu.memory_space<vmem_shared>> -> memref<624x128xf32, #tpu.memory_space<vmem_shared>>
      %dma_wait3A_98 = arith.constant 0 : i32
      %dma_wait3A_99 = tpu.memref_slice %arg6[%multiple_of3A, %dma_wait3A_98] : memref<10000x128xf32, #tpu.memory_space<hbm>> -> memref<624x128xf32, #tpu.memory_space<hbm>>
      tpu.wait_dma2 semaphore(%run_scoped3A : memref<!tpu.dma_semaphore, #tpu.memory_space<semaphore_mem>>) src(%dma_wait3A_99 : memref<624x128xf32, #tpu.memory_space<hbm>>) dst(%dma_wait3A_97 : memref<624x128xf32, #tpu.memory_space<vmem_shared>>)
      tpu.yield
    }) : () -> ()
    %eq3A = arith.constant 0 : i32
    %eq3A_5 = arith.cmpi eq, %arg1, %eq3A : i32
    %convert_element_type3A = arith.extui %eq3A_5 : i1 to i32
    %cond3A = arith.constant 0 : i32
    %cond3A_6 = arith.cmpi ne, %convert_element_type3A, %cond3A : i32
    scf.if %cond3A_6 {
      "tpu.region"() ({
        %run_scoped3A = tpu.sem_alloc : memref<!tpu.dma_semaphore, #tpu.memory_space<semaphore_mem>>
        %dma_start3A_92 = arith.constant 9984 : i32
        %dma_start3A_93 = arith.constant 0 : i32
        %dma_start3A_94 = tpu.memref_slice %arg13[%dma_start3A_92, %dma_start3A_93] : memref<10000x128xf32, #tpu.memory_space<vmem_shared>> -> memref<16x128xf32, #tpu.memory_space<vmem_shared>>
        %dma_start3A_95 = arith.constant 9984 : i32
        %dma_start3A_96 = arith.constant 0 : i32
        %dma_start3A_97 = tpu.memref_slice %arg6[%dma_start3A_95, %dma_start3A_96] : memref<10000x128xf32, #tpu.memory_space<hbm>> -> memref<16x128xf32, #tpu.memory_space<hbm>>
        tpu.enqueue_dma source(%dma_start3A_97 : memref<16x128xf32, #tpu.memory_space<hbm>>) target(%dma_start3A_94 : memref<16x128xf32, #tpu.memory_space<vmem_shared>>) target_semaphore(%run_scoped3A : memref<!tpu.dma_semaphore, #tpu.memory_space<semaphore_mem>>)
        %dma_wait3A_98 = arith.constant 9984 : i32
        %dma_wait3A_99 = arith.constant 0 : i32
        %dma_wait3A_100 = tpu.memref_slice %arg13[%dma_wait3A_98, %dma_wait3A_99] : memref<10000x128xf32, #tpu.memory_space<vmem_shared>> -> memref<16x128xf32, #tpu.memory_space<vmem_shared>>
        %dma_wait3A_101 = arith.constant 9984 : i32
        %dma_wait3A_102 = arith.constant 0 : i32
        %dma_wait3A_103 = tpu.memref_slice %arg6[%dma_wait3A_101, %dma_wait3A_102] : memref<10000x128xf32, #tpu.memory_space<hbm>> -> memref<16x128xf32, #tpu.memory_space<hbm>>
        tpu.wait_dma2 semaphore(%run_scoped3A : memref<!tpu.dma_semaphore, #tpu.memory_space<semaphore_mem>>) src(%dma_wait3A_103 : memref<16x128xf32, #tpu.memory_space<hbm>>) dst(%dma_wait3A_100 : memref<16x128xf32, #tpu.memory_space<vmem_shared>>)
        tpu.yield
      }) : () -> ()
    } else {
    }
    %barrier3A = arith.constant 0 : index
    tpu.barrier barrier_id(%barrier3A)
    %multiple_of3A_7 = arith.constant 0 : i32
    %multiple_of3A_8 = tpu.assume_multiple %multiple_of3A_7, 8 : i32
    %dma_start3A = arith.constant 0 : i32
    %dma_start3A_9 = arith.constant 0 : i32
    %dma_start3A_10 = arith.constant 0 : i32
    %dma_start3A_11 = tpu.memref_slice %arg10[%dma_start3A, %dma_start3A_9, %dma_start3A_10] : memref<2x40x128xf32, #tpu.memory_space<vmem>> -> memref<1x40x128xf32, #tpu.memory_space<vmem>>
    %dma_start3A_12 = tpu.memref_squeeze %dma_start3A_11 : memref<1x40x128xf32, #tpu.memory_space<vmem>> -> memref<40x128xf32, #tpu.memory_space<vmem>>
    %dma_start3A_13 = tpu.memref_slice %arg8[%multiple_of3A_8] : memref<10000xi32, #tpu.memory_space<vmem>> -> memref<40xi32, #tpu.memory_space<vmem>>
    %dma_start3A_14 = arith.constant 0 : i32
    %dma_start3A_15 = arith.constant 0 : i32
    %dma_start3A_16 = tpu.memref_slice %arg4[%dma_start3A_14, %dma_start3A_15] : memref<10000x128xf32, #tpu.memory_space<hbm>> -> memref<10000x128xf32, #tpu.memory_space<hbm>>
    tpu.enqueue_indirect_dma source(%dma_start3A_16 : memref<10000x128xf32, #tpu.memory_space<hbm>>) target(%dma_start3A_12 : memref<40x128xf32, #tpu.memory_space<vmem>>) offsets(%dma_start3A_13 : memref<40xi32, #tpu.memory_space<vmem>>) semaphore(%arg14 : memref<!tpu.dma_semaphore, #tpu.memory_space<semaphore_mem>>)
    %add3A_17 = arith.constant 0 : i32
    %add3A_18 = arith.addi %mul3A_2, %add3A_17 : i32
    %multiple_of3A_19 = tpu.assume_multiple %add3A_18, 8 : i32
    %dma_start3A_20 = arith.constant 0 : i32
    %dma_start3A_21 = arith.constant 0 : i32
    %dma_start3A_22 = arith.constant 0 : i32
    %dma_start3A_23 = tpu.memref_slice %arg11[%dma_start3A_20, %dma_start3A_21, %dma_start3A_22] : memref<2x40x128xf32, #tpu.memory_space<vmem>> -> memref<1x40x128xf32, #tpu.memory_space<vmem>>
    %dma_start3A_24 = tpu.memref_squeeze %dma_start3A_23 : memref<1x40x128xf32, #tpu.memory_space<vmem>> -> memref<40x128xf32, #tpu.memory_space<vmem>>
    %dma_start3A_25 = arith.constant 0 : i32
    %dma_start3A_26 = tpu.memref_slice %arg5[%multiple_of3A_19, %dma_start3A_25] : memref<320000x128xf32, #tpu.memory_space<hbm>> -> memref<40x128xf32, #tpu.memory_space<hbm>>
    %dma_start3A_27 = arith.constant 0 : i32
    %dma_start3A_28 = arith.constant 0 : i32
    %dma_start3A_29 = tpu.memref_slice %arg11[%dma_start3A_20, %dma_start3A_27, %dma_start3A_28] : memref<2x40x128xf32, #tpu.memory_space<vmem>> -> memref<1x40x128xf32, #tpu.memory_space<vmem>>
    %dma_start3A_30 = tpu.memref_squeeze %dma_start3A_29 : memref<1x40x128xf32, #tpu.memory_space<vmem>> -> memref<40x128xf32, #tpu.memory_space<vmem>>
    %dma_start3A_31 = arith.constant 0 : i32
    %dma_start3A_32 = tpu.memref_slice %arg5[%multiple_of3A_19, %dma_start3A_31] : memref<320000x128xf32, #tpu.memory_space<hbm>> -> memref<40x128xf32, #tpu.memory_space<hbm>>
    tpu.enqueue_dma source(%dma_start3A_32 : memref<40x128xf32, #tpu.memory_space<hbm>>) target(%dma_start3A_30 : memref<40x128xf32, #tpu.memory_space<vmem>>) target_semaphore(%arg16 : memref<!tpu.dma_semaphore, #tpu.memory_space<semaphore_mem>>)
    %multiple_of3A_33 = arith.constant 40 : i32
    %multiple_of3A_34 = tpu.assume_multiple %multiple_of3A_33, 8 : i32
    %dma_start3A_35 = arith.constant 1 : i32
    %dma_start3A_36 = arith.constant 0 : i32
    %dma_start3A_37 = arith.constant 0 : i32
    %dma_start3A_38 = tpu.memref_slice %arg10[%dma_start3A_35, %dma_start3A_36, %dma_start3A_37] : memref<2x40x128xf32, #tpu.memory_space<vmem>> -> memref<1x40x128xf32, #tpu.memory_space<vmem>>
    %dma_start3A_39 = tpu.memref_squeeze %dma_start3A_38 : memref<1x40x128xf32, #tpu.memory_space<vmem>> -> memref<40x128xf32, #tpu.memory_space<vmem>>
    %dma_start3A_40 = tpu.memref_slice %arg8[%multiple_of3A_34] : memref<10000xi32, #tpu.memory_space<vmem>> -> memref<40xi32, #tpu.memory_space<vmem>>
    %dma_start3A_41 = arith.constant 0 : i32
    %dma_start3A_42 = arith.constant 0 : i32
    %dma_start3A_43 = tpu.memref_slice %arg4[%dma_start3A_41, %dma_start3A_42] : memref<10000x128xf32, #tpu.memory_space<hbm>> -> memref<10000x128xf32, #tpu.memory_space<hbm>>
    tpu.enqueue_indirect_dma source(%dma_start3A_43 : memref<10000x128xf32, #tpu.memory_space<hbm>>) target(%dma_start3A_39 : memref<40x128xf32, #tpu.memory_space<vmem>>) offsets(%dma_start3A_40 : memref<40xi32, #tpu.memory_space<vmem>>) semaphore(%arg15 : memref<!tpu.dma_semaphore, #tpu.memory_space<semaphore_mem>>)
    %add3A_44 = arith.constant 40 : i32
    %add3A_45 = arith.addi %mul3A_2, %add3A_44 : i32
    %multiple_of3A_46 = tpu.assume_multiple %add3A_45, 8 : i32
    %dma_start3A_47 = arith.constant 1 : i32
    %dma_start3A_48 = arith.constant 0 : i32
    %dma_start3A_49 = arith.constant 0 : i32
    %dma_start3A_50 = tpu.memref_slice %arg11[%dma_start3A_47, %dma_start3A_48, %dma_start3A_49] : memref<2x40x128xf32, #tpu.memory_space<vmem>> -> memref<1x40x128xf32, #tpu.memory_space<vmem>>
    %dma_start3A_51 = tpu.memref_squeeze %dma_start3A_50 : memref<1x40x128xf32, #tpu.memory_space<vmem>> -> memref<40x128xf32, #tpu.memory_space<vmem>>
    %dma_start3A_52 = arith.constant 0 : i32
    %dma_start3A_53 = tpu.memref_slice %arg5[%multiple_of3A_46, %dma_start3A_52] : memref<320000x128xf32, #tpu.memory_space<hbm>> -> memref<40x128xf32, #tpu.memory_space<hbm>>
    %dma_start3A_54 = arith.constant 0 : i32
    %dma_start3A_55 = arith.constant 0 : i32
    %dma_start3A_56 = tpu.memref_slice %arg11[%dma_start3A_47, %dma_start3A_54, %dma_start3A_55] : memref<2x40x128xf32, #tpu.memory_space<vmem>> -> memref<1x40x128xf32, #tpu.memory_space<vmem>>
    %dma_start3A_57 = tpu.memref_squeeze %dma_start3A_56 : memref<1x40x128xf32, #tpu.memory_space<vmem>> -> memref<40x128xf32, #tpu.memory_space<vmem>>
    %dma_start3A_58 = arith.constant 0 : i32
    %dma_start3A_59 = tpu.memref_slice %arg5[%multiple_of3A_46, %dma_start3A_58] : memref<320000x128xf32, #tpu.memory_space<hbm>> -> memref<40x128xf32, #tpu.memory_space<hbm>>
    tpu.enqueue_dma source(%dma_start3A_59 : memref<40x128xf32, #tpu.memory_space<hbm>>) target(%dma_start3A_57 : memref<40x128xf32, #tpu.memory_space<vmem>>) target_semaphore(%arg17 : memref<!tpu.dma_semaphore, #tpu.memory_space<semaphore_mem>>)
    %scan3A = arith.constant 0 : i32
    %scan3A_60 = arith.constant 0 : i32
    %scan3A_61 = arith.constant 125 : i32
    %scan3A_62 = arith.addi %scan3A_60, %scan3A_61 : i32
    %scan3A_63 = arith.constant 1 : i32
    scf.for %scan3A_92 = %scan3A_60 to %scan3A_62 step %scan3A_63  : i32 {
      %mul3A_93 = arith.constant 2 : i32
      %mul3A_94 = arith.muli %mul3A_93, %scan3A_92 : i32
      %add3A_95 = arith.constant 0 : i32
      %add3A_96 = arith.addi %mul3A_94, %add3A_95 : i32
      %ge3A = arith.constant 1 : i32
      %ge3A_97 = arith.cmpi sge, %scan3A_92, %ge3A : i32
      %convert_element_type3A_98 = arith.extui %ge3A_97 : i1 to i32
      %cond3A_99 = arith.constant 0 : i32
      %cond3A_100 = arith.cmpi ne, %convert_element_type3A_98, %cond3A_99 : i32
      scf.if %cond3A_100 {
        %sub3A = arith.constant 2 : i32
        %sub3A_217 = arith.subi %add3A_96, %sub3A : i32
        %mul3A_218 = arith.constant 40 : i32
        %mul3A_219 = arith.muli %sub3A_217, %mul3A_218 : i32
        %multiple_of3A_220 = tpu.assume_multiple %mul3A_219, 8 : i32
        %dma_wait3A_221 = arith.constant 0 : i32
        %dma_wait3A_222 = arith.constant 0 : i32
        %dma_wait3A_223 = arith.constant 0 : i32
        %dma_wait3A_224 = tpu.memref_slice %arg12[%dma_wait3A_221, %dma_wait3A_222, %dma_wait3A_223] : memref<2x40x128xf32, #tpu.memory_space<vmem>> -> memref<1x40x128xf32, #tpu.memory_space<vmem>>
        %dma_wait3A_225 = tpu.memref_squeeze %dma_wait3A_224 : memref<1x40x128xf32, #tpu.memory_space<vmem>> -> memref<40x128xf32, #tpu.memory_space<vmem>>
        %dma_wait3A_226 = tpu.memref_slice %arg9[%multiple_of3A_220] : memref<10000xi32, #tpu.memory_space<vmem>> -> memref<40xi32, #tpu.memory_space<vmem>>
        %dma_wait3A_227 = arith.constant 0 : i32
        %dma_wait3A_228 = arith.constant 0 : i32
        %dma_wait3A_229 = tpu.memref_slice %arg13[%dma_wait3A_227, %dma_wait3A_228] : memref<10000x128xf32, #tpu.memory_space<vmem_shared>> -> memref<10000x128xf32, #tpu.memory_space<vmem_shared>>
        tpu.wait_indirect_dma semaphore(%arg18 : memref<!tpu.dma_semaphore, #tpu.memory_space<semaphore_mem>>) src(%dma_wait3A_225 : memref<40x128xf32, #tpu.memory_space<vmem>>) dst(%dma_wait3A_229 : memref<10000x128xf32, #tpu.memory_space<vmem_shared>>)
      } else {
      }
      %mul3A_101 = arith.constant 40 : i32
      %mul3A_102 = arith.muli %add3A_96, %mul3A_101 : i32
      %multiple_of3A_103 = tpu.assume_multiple %mul3A_102, 8 : i32
      %dma_wait3A_104 = arith.constant 0 : i32
      %dma_wait3A_105 = arith.constant 0 : i32
      %dma_wait3A_106 = arith.constant 0 : i32
      %dma_wait3A_107 = tpu.memref_slice %arg10[%dma_wait3A_104, %dma_wait3A_105, %dma_wait3A_106] : memref<2x40x128xf32, #tpu.memory_space<vmem>> -> memref<1x40x128xf32, #tpu.memory_space<vmem>>
      %dma_wait3A_108 = tpu.memref_squeeze %dma_wait3A_107 : memref<1x40x128xf32, #tpu.memory_space<vmem>> -> memref<40x128xf32, #tpu.memory_space<vmem>>
      %dma_wait3A_109 = tpu.memref_slice %arg8[%multiple_of3A_103] : memref<10000xi32, #tpu.memory_space<vmem>> -> memref<40xi32, #tpu.memory_space<vmem>>
      %dma_wait3A_110 = arith.constant 0 : i32
      %dma_wait3A_111 = arith.constant 0 : i32
      %dma_wait3A_112 = tpu.memref_slice %arg4[%dma_wait3A_110, %dma_wait3A_111] : memref<10000x128xf32, #tpu.memory_space<hbm>> -> memref<10000x128xf32, #tpu.memory_space<hbm>>
      tpu.wait_indirect_dma semaphore(%arg14 : memref<!tpu.dma_semaphore, #tpu.memory_space<semaphore_mem>>) src(%dma_wait3A_112 : memref<10000x128xf32, #tpu.memory_space<hbm>>) dst(%dma_wait3A_108 : memref<40x128xf32, #tpu.memory_space<vmem>>)
      %mul3A_113 = arith.constant 40 : i32
      %mul3A_114 = arith.muli %add3A_96, %mul3A_113 : i32
      %add3A_115 = arith.addi %mul3A_2, %mul3A_114 : i32
      %multiple_of3A_116 = tpu.assume_multiple %add3A_115, 8 : i32
      %dma_wait3A_117 = arith.constant 0 : i32
      %dma_wait3A_118 = arith.constant 0 : i32
      %dma_wait3A_119 = arith.constant 0 : i32
      %dma_wait3A_120 = tpu.memref_slice %arg11[%dma_wait3A_117, %dma_wait3A_118, %dma_wait3A_119] : memref<2x40x128xf32, #tpu.memory_space<vmem>> -> memref<1x40x128xf32, #tpu.memory_space<vmem>>
      %dma_wait3A_121 = tpu.memref_squeeze %dma_wait3A_120 : memref<1x40x128xf32, #tpu.memory_space<vmem>> -> memref<40x128xf32, #tpu.memory_space<vmem>>
      %dma_wait3A_122 = arith.constant 0 : i32
      %dma_wait3A_123 = tpu.memref_slice %arg5[%multiple_of3A_116, %dma_wait3A_122] : memref<320000x128xf32, #tpu.memory_space<hbm>> -> memref<40x128xf32, #tpu.memory_space<hbm>>
      %dma_wait3A_124 = arith.constant 0 : i32
      %dma_wait3A_125 = arith.constant 0 : i32
      %dma_wait3A_126 = tpu.memref_slice %arg11[%dma_wait3A_117, %dma_wait3A_124, %dma_wait3A_125] : memref<2x40x128xf32, #tpu.memory_space<vmem>> -> memref<1x40x128xf32, #tpu.memory_space<vmem>>
      %dma_wait3A_127 = tpu.memref_squeeze %dma_wait3A_126 : memref<1x40x128xf32, #tpu.memory_space<vmem>> -> memref<40x128xf32, #tpu.memory_space<vmem>>
      %dma_wait3A_128 = arith.constant 0 : i32
      %dma_wait3A_129 = tpu.memref_slice %arg5[%multiple_of3A_116, %dma_wait3A_128] : memref<320000x128xf32, #tpu.memory_space<hbm>> -> memref<40x128xf32, #tpu.memory_space<hbm>>
      tpu.wait_dma2 semaphore(%arg16 : memref<!tpu.dma_semaphore, #tpu.memory_space<semaphore_mem>>) src(%dma_wait3A_129 : memref<40x128xf32, #tpu.memory_space<hbm>>) dst(%dma_wait3A_127 : memref<40x128xf32, #tpu.memory_space<vmem>>)
      %scan3A_130 = arith.constant 0 : i32
      %scan3A_131 = arith.constant 0 : i32
      %scan3A_132 = arith.constant 40 : i32
      %scan3A_133 = arith.addi %scan3A_131, %scan3A_132 : i32
      %scan3A_134 = arith.constant 2 : i32
      scf.for %scan3A_217 = %scan3A_131 to %scan3A_133 step %scan3A_134  : i32 {
        %get3A = arith.constant 0 : i32
        %get3A_218 = arith.index_cast %get3A : i32 to index
        %get3A_219 = arith.index_cast %scan3A_217 : i32 to index
        %get3A_220 = arith.constant 0 : index
        %get3A_221 = tpu.vector_load %arg10[%get3A_218, %get3A_219, %get3A_220] {strides = array<i32>} : memref<2x40x128xf32, #tpu.memory_space<vmem>>, vector<1x1x16xf32>,
        %get3A_222 = vector.shape_cast %get3A_221 : vector<1x1x16xf32> to vector<16xf32>
        %get3A_223 = arith.constant 0 : i32
        %get3A_224 = arith.index_cast %get3A_223 : i32 to index
        %get3A_225 = arith.index_cast %scan3A_217 : i32 to index
        %get3A_226 = arith.constant 0 : index
        %get3A_227 = tpu.vector_load %arg11[%get3A_224, %get3A_225, %get3A_226] {strides = array<i32>} : memref<2x40x128xf32, #tpu.memory_space<vmem>>, vector<1x1x16xf32>,
        %get3A_228 = vector.shape_cast %get3A_227 : vector<1x1x16xf32> to vector<16xf32>
        %add3A_229 = arith.addf %get3A_222, %get3A_228 : vector<16xf32>
        %max3A = arith.constant 0.000000e+00 : f32
        %max3A_230 = vector.broadcast %max3A : f32 to vector<16xf32>
        %max3A_231 = arith.maximumf %add3A_229, %max3A_230 : vector<16xf32>
        %swap3A = arith.constant 0 : i32
        %swap3A_232 = arith.index_cast %swap3A : i32 to index
        %swap3A_233 = arith.index_cast %scan3A_217 : i32 to index
        %swap3A_234 = arith.constant 0 : index
        %swap3A_235 = tpu.vector_load %arg12[%swap3A_232, %swap3A_233, %swap3A_234] {strides = array<i32>} : memref<2x40x128xf32, #tpu.memory_space<vmem>>, vector<1x1x16xf32>,
        %swap3A_236 = vector.shape_cast %swap3A_235 : vector<1x1x16xf32> to vector<16xf32>
        %swap3A_237 = vector.shape_cast %max3A_231 : vector<16xf32> to vector<1x1x16xf32>
        tpu.vector_store %arg12[%swap3A_232, %swap3A_233, %swap3A_234], %swap3A_237 {strides = array<i32>} : memref<2x40x128xf32, #tpu.memory_space<vmem>>, vector<1x1x16xf32>,
        %get3A_238 = arith.constant 0 : i32
        %get3A_239 = arith.index_cast %get3A_238 : i32 to index
        %get3A_240 = arith.index_cast %scan3A_217 : i32 to index
        %get3A_241 = arith.constant 16 : index
        %get3A_242 = tpu.vector_load %arg10[%get3A_239, %get3A_240, %get3A_241] {strides = array<i32>} : memref<2x40x128xf32, #tpu.memory_space<vmem>>, vector<1x1x16xf32>,
        %get3A_243 = vector.shape_cast %get3A_242 : vector<1x1x16xf32> to vector<16xf32>
        %get3A_244 = arith.constant 0 : i32
        %get3A_245 = arith.index_cast %get3A_244 : i32 to index
        %get3A_246 = arith.index_cast %scan3A_217 : i32 to index
        %get3A_247 = arith.constant 16 : index
        %get3A_248 = tpu.vector_load %arg11[%get3A_245, %get3A_246, %get3A_247] {strides = array<i32>} : memref<2x40x128xf32, #tpu.memory_space<vmem>>, vector<1x1x16xf32>,
        %get3A_249 = vector.shape_cast %get3A_248 : vector<1x1x16xf32> to vector<16xf32>
        %add3A_250 = arith.addf %get3A_243, %get3A_249 : vector<16xf32>
        %max3A_251 = arith.constant 0.000000e+00 : f32
        %max3A_252 = vector.broadcast %max3A_251 : f32 to vector<16xf32>
        %max3A_253 = arith.maximumf %add3A_250, %max3A_252 : vector<16xf32>
        %swap3A_254 = arith.constant 0 : i32
        %swap3A_255 = arith.index_cast %swap3A_254 : i32 to index
        %swap3A_256 = arith.index_cast %scan3A_217 : i32 to index
        %swap3A_257 = arith.constant 16 : index
        %swap3A_258 = tpu.vector_load %arg12[%swap3A_255, %swap3A_256, %swap3A_257] {strides = array<i32>} : memref<2x40x128xf32, #tpu.memory_space<vmem>>, vector<1x1x16xf32>,
        %swap3A_259 = vector.shape_cast %swap3A_258 : vector<1x1x16xf32> to vector<16xf32>
        %swap3A_260 = vector.shape_cast %max3A_253 : vector<16xf32> to vector<1x1x16xf32>
        tpu.vector_store %arg12[%swap3A_255, %swap3A_256, %swap3A_257], %swap3A_260 {strides = array<i32>} : memref<2x40x128xf32, #tpu.memory_space<vmem>>, vector<1x1x16xf32>,
        %get3A_261 = arith.constant 0 : i32
        %get3A_262 = arith.index_cast %get3A_261 : i32 to index
        %get3A_263 = arith.index_cast %scan3A_217 : i32 to index
        %get3A_264 = arith.constant 32 : index
        %get3A_265 = tpu.vector_load %arg10[%get3A_262, %get3A_263, %get3A_264] {strides = array<i32>} : memref<2x40x128xf32, #tpu.memory_space<vmem>>, vector<1x1x16xf32>,
        %get3A_266 = vector.shape_cast %get3A_265 : vector<1x1x16xf32> to vector<16xf32>
        %get3A_267 = arith.constant 0 : i32
        %get3A_268 = arith.index_cast %get3A_267 : i32 to index
        %get3A_269 = arith.index_cast %scan3A_217 : i32 to index
        %get3A_270 = arith.constant 32 : index
        %get3A_271 = tpu.vector_load %arg11[%get3A_268, %get3A_269, %get3A_270] {strides = array<i32>} : memref<2x40x128xf32, #tpu.memory_space<vmem>>, vector<1x1x16xf32>,
        %get3A_272 = vector.shape_cast %get3A_271 : vector<1x1x16xf32> to vector<16xf32>
        %add3A_273 = arith.addf %get3A_266, %get3A_272 : vector<16xf32>
        %max3A_274 = arith.constant 0.000000e+00 : f32
        %max3A_275 = vector.broadcast %max3A_274 : f32 to vector<16xf32>
        %max3A_276 = arith.maximumf %add3A_273, %max3A_275 : vector<16xf32>
        %swap3A_277 = arith.constant 0 : i32
        %swap3A_278 = arith.index_cast %swap3A_277 : i32 to index
        %swap3A_279 = arith.index_cast %scan3A_217 : i32 to index
        %swap3A_280 = arith.constant 32 : index
        %swap3A_281 = tpu.vector_load %arg12[%swap3A_278, %swap3A_279, %swap3A_280] {strides = array<i32>} : memref<2x40x128xf32, #tpu.memory_space<vmem>>, vector<1x1x16xf32>,
        %swap3A_282 = vector.shape_cast %swap3A_281 : vector<1x1x16xf32> to vector<16xf32>
        %swap3A_283 = vector.shape_cast %max3A_276 : vector<16xf32> to vector<1x1x16xf32>
        tpu.vector_store %arg12[%swap3A_278, %swap3A_279, %swap3A_280], %swap3A_283 {strides = array<i32>} : memref<2x40x128xf32, #tpu.memory_space<vmem>>, vector<1x1x16xf32>,
        %get3A_284 = arith.constant 0 : i32
        %get3A_285 = arith.index_cast %get3A_284 : i32 to index
        %get3A_286 = arith.index_cast %scan3A_217 : i32 to index
        %get3A_287 = arith.constant 48 : index
        %get3A_288 = tpu.vector_load %arg10[%get3A_285, %get3A_286, %get3A_287] {strides = array<i32>} : memref<2x40x128xf32, #tpu.memory_space<vmem>>, vector<1x1x16xf32>,
        %get3A_289 = vector.shape_cast %get3A_288 : vector<1x1x16xf32> to vector<16xf32>
        %get3A_290 = arith.constant 0 : i32
        %get3A_291 = arith.index_cast %get3A_290 : i32 to index
        %get3A_292 = arith.index_cast %scan3A_217 : i32 to index
        %get3A_293 = arith.constant 48 : index
        %get3A_294 = tpu.vector_load %arg11[%get3A_291, %get3A_292, %get3A_293] {strides = array<i32>} : memref<2x40x128xf32, #tpu.memory_space<vmem>>, vector<1x1x16xf32>,
        %get3A_295 = vector.shape_cast %get3A_294 : vector<1x1x16xf32> to vector<16xf32>
        %add3A_296 = arith.addf %get3A_289, %get3A_295 : vector<16xf32>
        %max3A_297 = arith.constant 0.000000e+00 : f32
        %max3A_298 = vector.broadcast %max3A_297 : f32 to vector<16xf32>
        %max3A_299 = arith.maximumf %add3A_296, %max3A_298 : vector<16xf32>
        %swap3A_300 = arith.constant 0 : i32
        %swap3A_301 = arith.index_cast %swap3A_300 : i32 to index
        %swap3A_302 = arith.index_cast %scan3A_217 : i32 to index
        %swap3A_303 = arith.constant 48 : index
        %swap3A_304 = tpu.vector_load %arg12[%swap3A_301, %swap3A_302, %swap3A_303] {strides = array<i32>} : memref<2x40x128xf32, #tpu.memory_space<vmem>>, vector<1x1x16xf32>,
        %swap3A_305 = vector.shape_cast %swap3A_304 : vector<1x1x16xf32> to vector<16xf32>
        %swap3A_306 = vector.shape_cast %max3A_299 : vector<16xf32> to vector<1x1x16xf32>
        tpu.vector_store %arg12[%swap3A_301, %swap3A_302, %swap3A_303], %swap3A_306 {strides = array<i32>} : memref<2x40x128xf32, #tpu.memory_space<vmem>>, vector<1x1x16xf32>,
        %get3A_307 = arith.constant 0 : i32
        %get3A_308 = arith.index_cast %get3A_307 : i32 to index
        %get3A_309 = arith.index_cast %scan3A_217 : i32 to index
        %get3A_310 = arith.constant 64 : index
        %get3A_311 = tpu.vector_load %arg10[%get3A_308, %get3A_309, %get3A_310] {strides = array<i32>} : memref<2x40x128xf32, #tpu.memory_space<vmem>>, vector<1x1x16xf32>,
        %get3A_312 = vector.shape_cast %get3A_311 : vector<1x1x16xf32> to vector<16xf32>
        %get3A_313 = arith.constant 0 : i32
        %get3A_314 = arith.index_cast %get3A_313 : i32 to index
        %get3A_315 = arith.index_cast %scan3A_217 : i32 to index
        %get3A_316 = arith.constant 64 : index
        %get3A_317 = tpu.vector_load %arg11[%get3A_314, %get3A_315, %get3A_316] {strides = array<i32>} : memref<2x40x128xf32, #tpu.memory_space<vmem>>, vector<1x1x16xf32>,
        %get3A_318 = vector.shape_cast %get3A_317 : vector<1x1x16xf32> to vector<16xf32>
        %add3A_319 = arith.addf %get3A_312, %get3A_318 : vector<16xf32>
        %max3A_320 = arith.constant 0.000000e+00 : f32
        %max3A_321 = vector.broadcast %max3A_320 : f32 to vector<16xf32>
        %max3A_322 = arith.maximumf %add3A_319, %max3A_321 : vector<16xf32>
        %swap3A_323 = arith.constant 0 : i32
        %swap3A_324 = arith.index_cast %swap3A_323 : i32 to index
        %swap3A_325 = arith.index_cast %scan3A_217 : i32 to index
        %swap3A_326 = arith.constant 64 : index
        %swap3A_327 = tpu.vector_load %arg12[%swap3A_324, %swap3A_325, %swap3A_326] {strides = array<i32>} : memref<2x40x128xf32, #tpu.memory_space<vmem>>, vector<1x1x16xf32>,
        %swap3A_328 = vector.shape_cast %swap3A_327 : vector<1x1x16xf32> to vector<16xf32>
        %swap3A_329 = vector.shape_cast %max3A_322 : vector<16xf32> to vector<1x1x16xf32>
        tpu.vector_store %arg12[%swap3A_324, %swap3A_325, %swap3A_326], %swap3A_329 {strides = array<i32>} : memref<2x40x128xf32, #tpu.memory_space<vmem>>, vector<1x1x16xf32>,
        %get3A_330 = arith.constant 0 : i32
        %get3A_331 = arith.index_cast %get3A_330 : i32 to index
        %get3A_332 = arith.index_cast %scan3A_217 : i32 to index
        %get3A_333 = arith.constant 80 : index
        %get3A_334 = tpu.vector_load %arg10[%get3A_331, %get3A_332, %get3A_333] {strides = array<i32>} : memref<2x40x128xf32, #tpu.memory_space<vmem>>, vector<1x1x16xf32>,
        %get3A_335 = vector.shape_cast %get3A_334 : vector<1x1x16xf32> to vector<16xf32>
        %get3A_336 = arith.constant 0 : i32
        %get3A_337 = arith.index_cast %get3A_336 : i32 to index
        %get3A_338 = arith.index_cast %scan3A_217 : i32 to index
        %get3A_339 = arith.constant 80 : index
        %get3A_340 = tpu.vector_load %arg11[%get3A_337, %get3A_338, %get3A_339] {strides = array<i32>} : memref<2x40x128xf32, #tpu.memory_space<vmem>>, vector<1x1x16xf32>,
        %get3A_341 = vector.shape_cast %get3A_340 : vector<1x1x16xf32> to vector<16xf32>
        %add3A_342 = arith.addf %get3A_335, %get3A_341 : vector<16xf32>
        %max3A_343 = arith.constant 0.000000e+00 : f32
        %max3A_344 = vector.broadcast %max3A_343 : f32 to vector<16xf32>
        %max3A_345 = arith.maximumf %add3A_342, %max3A_344 : vector<16xf32>
        %swap3A_346 = arith.constant 0 : i32
        %swap3A_347 = arith.index_cast %swap3A_346 : i32 to index
        %swap3A_348 = arith.index_cast %scan3A_217 : i32 to index
        %swap3A_349 = arith.constant 80 : index
        %swap3A_350 = tpu.vector_load %arg12[%swap3A_347, %swap3A_348, %swap3A_349] {strides = array<i32>} : memref<2x40x128xf32, #tpu.memory_space<vmem>>, vector<1x1x16xf32>,
        %swap3A_351 = vector.shape_cast %swap3A_350 : vector<1x1x16xf32> to vector<16xf32>
        %swap3A_352 = vector.shape_cast %max3A_345 : vector<16xf32> to vector<1x1x16xf32>
        tpu.vector_store %arg12[%swap3A_347, %swap3A_348, %swap3A_349], %swap3A_352 {strides = array<i32>} : memref<2x40x128xf32, #tpu.memory_space<vmem>>, vector<1x1x16xf32>,
        %get3A_353 = arith.constant 0 : i32
        %get3A_354 = arith.index_cast %get3A_353 : i32 to index
        %get3A_355 = arith.index_cast %scan3A_217 : i32 to index
        %get3A_356 = arith.constant 96 : index
        %get3A_357 = tpu.vector_load %arg10[%get3A_354, %get3A_355, %get3A_356] {strides = array<i32>} : memref<2x40x128xf32, #tpu.memory_space<vmem>>, vector<1x1x16xf32>,
        %get3A_358 = vector.shape_cast %get3A_357 : vector<1x1x16xf32> to vector<16xf32>
        %get3A_359 = arith.constant 0 : i32
        %get3A_360 = arith.index_cast %get3A_359 : i32 to index
        %get3A_361 = arith.index_cast %scan3A_217 : i32 to index
        %get3A_362 = arith.constant 96 : index
        %get3A_363 = tpu.vector_load %arg11[%get3A_360, %get3A_361, %get3A_362] {strides = array<i32>} : memref<2x40x128xf32, #tpu.memory_space<vmem>>, vector<1x1x16xf32>,
        %get3A_364 = vector.shape_cast %get3A_363 : vector<1x1x16xf32> to vector<16xf32>
        %add3A_365 = arith.addf %get3A_358, %get3A_364 : vector<16xf32>
        %max3A_366 = arith.constant 0.000000e+00 : f32
        %max3A_367 = vector.broadcast %max3A_366 : f32 to vector<16xf32>
        %max3A_368 = arith.maximumf %add3A_365, %max3A_367 : vector<16xf32>
        %swap3A_369 = arith.constant 0 : i32
        %swap3A_370 = arith.index_cast %swap3A_369 : i32 to index
        %swap3A_371 = arith.index_cast %scan3A_217 : i32 to index
        %swap3A_372 = arith.constant 96 : index
        %swap3A_373 = tpu.vector_load %arg12[%swap3A_370, %swap3A_371, %swap3A_372] {strides = array<i32>} : memref<2x40x128xf32, #tpu.memory_space<vmem>>, vector<1x1x16xf32>,
        %swap3A_374 = vector.shape_cast %swap3A_373 : vector<1x1x16xf32> to vector<16xf32>
        %swap3A_375 = vector.shape_cast %max3A_368 : vector<16xf32> to vector<1x1x16xf32>
        tpu.vector_store %arg12[%swap3A_370, %swap3A_371, %swap3A_372], %swap3A_375 {strides = array<i32>} : memref<2x40x128xf32, #tpu.memory_space<vmem>>, vector<1x1x16xf32>,
        %get3A_376 = arith.constant 0 : i32
        %get3A_377 = arith.index_cast %get3A_376 : i32 to index
        %get3A_378 = arith.index_cast %scan3A_217 : i32 to index
        %get3A_379 = arith.constant 112 : index
        %get3A_380 = tpu.vector_load %arg10[%get3A_377, %get3A_378, %get3A_379] {strides = array<i32>} : memref<2x40x128xf32, #tpu.memory_space<vmem>>, vector<1x1x16xf32>,
        %get3A_381 = vector.shape_cast %get3A_380 : vector<1x1x16xf32> to vector<16xf32>
        %get3A_382 = arith.constant 0 : i32
        %get3A_383 = arith.index_cast %get3A_382 : i32 to index
        %get3A_384 = arith.index_cast %scan3A_217 : i32 to index
        %get3A_385 = arith.constant 112 : index
        %get3A_386 = tpu.vector_load %arg11[%get3A_383, %get3A_384, %get3A_385] {strides = array<i32>} : memref<2x40x128xf32, #tpu.memory_space<vmem>>, vector<1x1x16xf32>,
        %get3A_387 = vector.shape_cast %get3A_386 : vector<1x1x16xf32> to vector<16xf32>
        %add3A_388 = arith.addf %get3A_381, %get3A_387 : vector<16xf32>
        %max3A_389 = arith.constant 0.000000e+00 : f32
        %max3A_390 = vector.broadcast %max3A_389 : f32 to vector<16xf32>
        %max3A_391 = arith.maximumf %add3A_388, %max3A_390 : vector<16xf32>
        %swap3A_392 = arith.constant 0 : i32
        %swap3A_393 = arith.index_cast %swap3A_392 : i32 to index
        %swap3A_394 = arith.index_cast %scan3A_217 : i32 to index
        %swap3A_395 = arith.constant 112 : index
        %swap3A_396 = tpu.vector_load %arg12[%swap3A_393, %swap3A_394, %swap3A_395] {strides = array<i32>} : memref<2x40x128xf32, #tpu.memory_space<vmem>>, vector<1x1x16xf32>,
        %swap3A_397 = vector.shape_cast %swap3A_396 : vector<1x1x16xf32> to vector<16xf32>
        %swap3A_398 = vector.shape_cast %max3A_391 : vector<16xf32> to vector<1x1x16xf32>
        tpu.vector_store %arg12[%swap3A_393, %swap3A_394, %swap3A_395], %swap3A_398 {strides = array<i32>} : memref<2x40x128xf32, #tpu.memory_space<vmem>>, vector<1x1x16xf32>,
        %scan3A_399 = arith.constant 1 : i32
        %scan3A_400 = arith.addi %scan3A_217, %scan3A_399 : i32
        %get3A_401 = arith.constant 0 : i32
        %get3A_402 = arith.index_cast %get3A_401 : i32 to index
        %get3A_403 = arith.index_cast %scan3A_400 : i32 to index
        %get3A_404 = arith.constant 0 : index
        %get3A_405 = tpu.vector_load %arg10[%get3A_402, %get3A_403, %get3A_404] {strides = array<i32>} : memref<2x40x128xf32, #tpu.memory_space<vmem>>, vector<1x1x16xf32>,
        %get3A_406 = vector.shape_cast %get3A_405 : vector<1x1x16xf32> to vector<16xf32>
        %get3A_407 = arith.constant 0 : i32
        %get3A_408 = arith.index_cast %get3A_407 : i32 to index
        %get3A_409 = arith.index_cast %scan3A_400 : i32 to index
        %get3A_410 = arith.constant 0 : index
        %get3A_411 = tpu.vector_load %arg11[%get3A_408, %get3A_409, %get3A_410] {strides = array<i32>} : memref<2x40x128xf32, #tpu.memory_space<vmem>>, vector<1x1x16xf32>,
        %get3A_412 = vector.shape_cast %get3A_411 : vector<1x1x16xf32> to vector<16xf32>
        %add3A_413 = arith.addf %get3A_406, %get3A_412 : vector<16xf32>
        %max3A_414 = arith.constant 0.000000e+00 : f32
        %max3A_415 = vector.broadcast %max3A_414 : f32 to vector<16xf32>
        %max3A_416 = arith.maximumf %add3A_413, %max3A_415 : vector<16xf32>
        %swap3A_417 = arith.constant 0 : i32
        %swap3A_418 = arith.index_cast %swap3A_417 : i32 to index
        %swap3A_419 = arith.index_cast %scan3A_400 : i32 to index
        %swap3A_420 = arith.constant 0 : index
        %swap3A_421 = tpu.vector_load %arg12[%swap3A_418, %swap3A_419, %swap3A_420] {strides = array<i32>} : memref<2x40x128xf32, #tpu.memory_space<vmem>>, vector<1x1x16xf32>,
        %swap3A_422 = vector.shape_cast %swap3A_421 : vector<1x1x16xf32> to vector<16xf32>
        %swap3A_423 = vector.shape_cast %max3A_416 : vector<16xf32> to vector<1x1x16xf32>
        tpu.vector_store %arg12[%swap3A_418, %swap3A_419, %swap3A_420], %swap3A_423 {strides = array<i32>} : memref<2x40x128xf32, #tpu.memory_space<vmem>>, vector<1x1x16xf32>,
        %get3A_424 = arith.constant 0 : i32
        %get3A_425 = arith.index_cast %get3A_424 : i32 to index
        %get3A_426 = arith.index_cast %scan3A_400 : i32 to index
        %get3A_427 = arith.constant 16 : index
        %get3A_428 = tpu.vector_load %arg10[%get3A_425, %get3A_426, %get3A_427] {strides = array<i32>} : memref<2x40x128xf32, #tpu.memory_space<vmem>>, vector<1x1x16xf32>,
        %get3A_429 = vector.shape_cast %get3A_428 : vector<1x1x16xf32> to vector<16xf32>
        %get3A_430 = arith.constant 0 : i32
        %get3A_431 = arith.index_cast %get3A_430 : i32 to index
        %get3A_432 = arith.index_cast %scan3A_400 : i32 to index
        %get3A_433 = arith.constant 16 : index
        %get3A_434 = tpu.vector_load %arg11[%get3A_431, %get3A_432, %get3A_433] {strides = array<i32>} : memref<2x40x128xf32, #tpu.memory_space<vmem>>, vector<1x1x16xf32>,
        %get3A_435 = vector.shape_cast %get3A_434 : vector<1x1x16xf32> to vector<16xf32>
        %add3A_436 = arith.addf %get3A_429, %get3A_435 : vector<16xf32>
        %max3A_437 = arith.constant 0.000000e+00 : f32
        %max3A_438 = vector.broadcast %max3A_437 : f32 to vector<16xf32>
        %max3A_439 = arith.maximumf %add3A_436, %max3A_438 : vector<16xf32>
        %swap3A_440 = arith.constant 0 : i32
        %swap3A_441 = arith.index_cast %swap3A_440 : i32 to index
        %swap3A_442 = arith.index_cast %scan3A_400 : i32 to index
        %swap3A_443 = arith.constant 16 : index
        %swap3A_444 = tpu.vector_load %arg12[%swap3A_441, %swap3A_442, %swap3A_443] {strides = array<i32>} : memref<2x40x128xf32, #tpu.memory_space<vmem>>, vector<1x1x16xf32>,
        %swap3A_445 = vector.shape_cast %swap3A_444 : vector<1x1x16xf32> to vector<16xf32>
        %swap3A_446 = vector.shape_cast %max3A_439 : vector<16xf32> to vector<1x1x16xf32>
        tpu.vector_store %arg12[%swap3A_441, %swap3A_442, %swap3A_443], %swap3A_446 {strides = array<i32>} : memref<2x40x128xf32, #tpu.memory_space<vmem>>, vector<1x1x16xf32>,
        %get3A_447 = arith.constant 0 : i32
        %get3A_448 = arith.index_cast %get3A_447 : i32 to index
        %get3A_449 = arith.index_cast %scan3A_400 : i32 to index
        %get3A_450 = arith.constant 32 : index
        %get3A_451 = tpu.vector_load %arg10[%get3A_448, %get3A_449, %get3A_450] {strides = array<i32>} : memref<2x40x128xf32, #tpu.memory_space<vmem>>, vector<1x1x16xf32>,
        %get3A_452 = vector.shape_cast %get3A_451 : vector<1x1x16xf32> to vector<16xf32>
        %get3A_453 = arith.constant 0 : i32
        %get3A_454 = arith.index_cast %get3A_453 : i32 to index
        %get3A_455 = arith.index_cast %scan3A_400 : i32 to index
        %get3A_456 = arith.constant 32 : index
        %get3A_457 = tpu.vector_load %arg11[%get3A_454, %get3A_455, %get3A_456] {strides = array<i32>} : memref<2x40x128xf32, #tpu.memory_space<vmem>>, vector<1x1x16xf32>,
        %get3A_458 = vector.shape_cast %get3A_457 : vector<1x1x16xf32> to vector<16xf32>
        %add3A_459 = arith.addf %get3A_452, %get3A_458 : vector<16xf32>
        %max3A_460 = arith.constant 0.000000e+00 : f32
        %max3A_461 = vector.broadcast %max3A_460 : f32 to vector<16xf32>
        %max3A_462 = arith.maximumf %add3A_459, %max3A_461 : vector<16xf32>
        %swap3A_463 = arith.constant 0 : i32
        %swap3A_464 = arith.index_cast %swap3A_463 : i32 to index
        %swap3A_465 = arith.index_cast %scan3A_400 : i32 to index
        %swap3A_466 = arith.constant 32 : index
        %swap3A_467 = tpu.vector_load %arg12[%swap3A_464, %swap3A_465, %swap3A_466] {strides = array<i32>} : memref<2x40x128xf32, #tpu.memory_space<vmem>>, vector<1x1x16xf32>,
        %swap3A_468 = vector.shape_cast %swap3A_467 : vector<1x1x16xf32> to vector<16xf32>
        %swap3A_469 = vector.shape_cast %max3A_462 : vector<16xf32> to vector<1x1x16xf32>
        tpu.vector_store %arg12[%swap3A_464, %swap3A_465, %swap3A_466], %swap3A_469 {strides = array<i32>} : memref<2x40x128xf32, #tpu.memory_space<vmem>>, vector<1x1x16xf32>,
        %get3A_470 = arith.constant 0 : i32
        %get3A_471 = arith.index_cast %get3A_470 : i32 to index
        %get3A_472 = arith.index_cast %scan3A_400 : i32 to index
        %get3A_473 = arith.constant 48 : index
        %get3A_474 = tpu.vector_load %arg10[%get3A_471, %get3A_472, %get3A_473] {strides = array<i32>} : memref<2x40x128xf32, #tpu.memory_space<vmem>>, vector<1x1x16xf32>,
        %get3A_475 = vector.shape_cast %get3A_474 : vector<1x1x16xf32> to vector<16xf32>
        %get3A_476 = arith.constant 0 : i32
        %get3A_477 = arith.index_cast %get3A_476 : i32 to index
        %get3A_478 = arith.index_cast %scan3A_400 : i32 to index
        %get3A_479 = arith.constant 48 : index
        %get3A_480 = tpu.vector_load %arg11[%get3A_477, %get3A_478, %get3A_479] {strides = array<i32>} : memref<2x40x128xf32, #tpu.memory_space<vmem>>, vector<1x1x16xf32>,
        %get3A_481 = vector.shape_cast %get3A_480 : vector<1x1x16xf32> to vector<16xf32>
        %add3A_482 = arith.addf %get3A_475, %get3A_481 : vector<16xf32>
        %max3A_483 = arith.constant 0.000000e+00 : f32
        %max3A_484 = vector.broadcast %max3A_483 : f32 to vector<16xf32>
        %max3A_485 = arith.maximumf %add3A_482, %max3A_484 : vector<16xf32>
        %swap3A_486 = arith.constant 0 : i32
        %swap3A_487 = arith.index_cast %swap3A_486 : i32 to index
        %swap3A_488 = arith.index_cast %scan3A_400 : i32 to index
        %swap3A_489 = arith.constant 48 : index
        %swap3A_490 = tpu.vector_load %arg12[%swap3A_487, %swap3A_488, %swap3A_489] {strides = array<i32>} : memref<2x40x128xf32, #tpu.memory_space<vmem>>, vector<1x1x16xf32>,
        %swap3A_491 = vector.shape_cast %swap3A_490 : vector<1x1x16xf32> to vector<16xf32>
        %swap3A_492 = vector.shape_cast %max3A_485 : vector<16xf32> to vector<1x1x16xf32>
        tpu.vector_store %arg12[%swap3A_487, %swap3A_488, %swap3A_489], %swap3A_492 {strides = array<i32>} : memref<2x40x128xf32, #tpu.memory_space<vmem>>, vector<1x1x16xf32>,
        %get3A_493 = arith.constant 0 : i32
        %get3A_494 = arith.index_cast %get3A_493 : i32 to index
        %get3A_495 = arith.index_cast %scan3A_400 : i32 to index
        %get3A_496 = arith.constant 64 : index
        %get3A_497 = tpu.vector_load %arg10[%get3A_494, %get3A_495, %get3A_496] {strides = array<i32>} : memref<2x40x128xf32, #tpu.memory_space<vmem>>, vector<1x1x16xf32>,
        %get3A_498 = vector.shape_cast %get3A_497 : vector<1x1x16xf32> to vector<16xf32>
        %get3A_499 = arith.constant 0 : i32
        %get3A_500 = arith.index_cast %get3A_499 : i32 to index
        %get3A_501 = arith.index_cast %scan3A_400 : i32 to index
        %get3A_502 = arith.constant 64 : index
        %get3A_503 = tpu.vector_load %arg11[%get3A_500, %get3A_501, %get3A_502] {strides = array<i32>} : memref<2x40x128xf32, #tpu.memory_space<vmem>>, vector<1x1x16xf32>,
        %get3A_504 = vector.shape_cast %get3A_503 : vector<1x1x16xf32> to vector<16xf32>
        %add3A_505 = arith.addf %get3A_498, %get3A_504 : vector<16xf32>
        %max3A_506 = arith.constant 0.000000e+00 : f32
        %max3A_507 = vector.broadcast %max3A_506 : f32 to vector<16xf32>
        %max3A_508 = arith.maximumf %add3A_505, %max3A_507 : vector<16xf32>
        %swap3A_509 = arith.constant 0 : i32
        %swap3A_510 = arith.index_cast %swap3A_509 : i32 to index
        %swap3A_511 = arith.index_cast %scan3A_400 : i32 to index
        %swap3A_512 = arith.constant 64 : index
        %swap3A_513 = tpu.vector_load %arg12[%swap3A_510, %swap3A_511, %swap3A_512] {strides = array<i32>} : memref<2x40x128xf32, #tpu.memory_space<vmem>>, vector<1x1x16xf32>,
        %swap3A_514 = vector.shape_cast %swap3A_513 : vector<1x1x16xf32> to vector<16xf32>
        %swap3A_515 = vector.shape_cast %max3A_508 : vector<16xf32> to vector<1x1x16xf32>
        tpu.vector_store %arg12[%swap3A_510, %swap3A_511, %swap3A_512], %swap3A_515 {strides = array<i32>} : memref<2x40x128xf32, #tpu.memory_space<vmem>>, vector<1x1x16xf32>,
        %get3A_516 = arith.constant 0 : i32
        %get3A_517 = arith.index_cast %get3A_516 : i32 to index
        %get3A_518 = arith.index_cast %scan3A_400 : i32 to index
        %get3A_519 = arith.constant 80 : index
        %get3A_520 = tpu.vector_load %arg10[%get3A_517, %get3A_518, %get3A_519] {strides = array<i32>} : memref<2x40x128xf32, #tpu.memory_space<vmem>>, vector<1x1x16xf32>,
        %get3A_521 = vector.shape_cast %get3A_520 : vector<1x1x16xf32> to vector<16xf32>
        %get3A_522 = arith.constant 0 : i32
        %get3A_523 = arith.index_cast %get3A_522 : i32 to index
        %get3A_524 = arith.index_cast %scan3A_400 : i32 to index
        %get3A_525 = arith.constant 80 : index
        %get3A_526 = tpu.vector_load %arg11[%get3A_523, %get3A_524, %get3A_525] {strides = array<i32>} : memref<2x40x128xf32, #tpu.memory_space<vmem>>, vector<1x1x16xf32>,
        %get3A_527 = vector.shape_cast %get3A_526 : vector<1x1x16xf32> to vector<16xf32>
        %add3A_528 = arith.addf %get3A_521, %get3A_527 : vector<16xf32>
        %max3A_529 = arith.constant 0.000000e+00 : f32
        %max3A_530 = vector.broadcast %max3A_529 : f32 to vector<16xf32>
        %max3A_531 = arith.maximumf %add3A_528, %max3A_530 : vector<16xf32>
        %swap3A_532 = arith.constant 0 : i32
        %swap3A_533 = arith.index_cast %swap3A_532 : i32 to index
        %swap3A_534 = arith.index_cast %scan3A_400 : i32 to index
        %swap3A_535 = arith.constant 80 : index
        %swap3A_536 = tpu.vector_load %arg12[%swap3A_533, %swap3A_534, %swap3A_535] {strides = array<i32>} : memref<2x40x128xf32, #tpu.memory_space<vmem>>, vector<1x1x16xf32>,
        %swap3A_537 = vector.shape_cast %swap3A_536 : vector<1x1x16xf32> to vector<16xf32>
        %swap3A_538 = vector.shape_cast %max3A_531 : vector<16xf32> to vector<1x1x16xf32>
        tpu.vector_store %arg12[%swap3A_533, %swap3A_534, %swap3A_535], %swap3A_538 {strides = array<i32>} : memref<2x40x128xf32, #tpu.memory_space<vmem>>, vector<1x1x16xf32>,
        %get3A_539 = arith.constant 0 : i32
        %get3A_540 = arith.index_cast %get3A_539 : i32 to index
        %get3A_541 = arith.index_cast %scan3A_400 : i32 to index
        %get3A_542 = arith.constant 96 : index
        %get3A_543 = tpu.vector_load %arg10[%get3A_540, %get3A_541, %get3A_542] {strides = array<i32>} : memref<2x40x128xf32, #tpu.memory_space<vmem>>, vector<1x1x16xf32>,
        %get3A_544 = vector.shape_cast %get3A_543 : vector<1x1x16xf32> to vector<16xf32>
        %get3A_545 = arith.constant 0 : i32
        %get3A_546 = arith.index_cast %get3A_545 : i32 to index
        %get3A_547 = arith.index_cast %scan3A_400 : i32 to index
        %get3A_548 = arith.constant 96 : index
        %get3A_549 = tpu.vector_load %arg11[%get3A_546, %get3A_547, %get3A_548] {strides = array<i32>} : memref<2x40x128xf32, #tpu.memory_space<vmem>>, vector<1x1x16xf32>,
        %get3A_550 = vector.shape_cast %get3A_549 : vector<1x1x16xf32> to vector<16xf32>
        %add3A_551 = arith.addf %get3A_544, %get3A_550 : vector<16xf32>
        %max3A_552 = arith.constant 0.000000e+00 : f32
        %max3A_553 = vector.broadcast %max3A_552 : f32 to vector<16xf32>
        %max3A_554 = arith.maximumf %add3A_551, %max3A_553 : vector<16xf32>
        %swap3A_555 = arith.constant 0 : i32
        %swap3A_556 = arith.index_cast %swap3A_555 : i32 to index
        %swap3A_557 = arith.index_cast %scan3A_400 : i32 to index
        %swap3A_558 = arith.constant 96 : index
        %swap3A_559 = tpu.vector_load %arg12[%swap3A_556, %swap3A_557, %swap3A_558] {strides = array<i32>} : memref<2x40x128xf32, #tpu.memory_space<vmem>>, vector<1x1x16xf32>,
        %swap3A_560 = vector.shape_cast %swap3A_559 : vector<1x1x16xf32> to vector<16xf32>
        %swap3A_561 = vector.shape_cast %max3A_554 : vector<16xf32> to vector<1x1x16xf32>
        tpu.vector_store %arg12[%swap3A_556, %swap3A_557, %swap3A_558], %swap3A_561 {strides = array<i32>} : memref<2x40x128xf32, #tpu.memory_space<vmem>>, vector<1x1x16xf32>,
        %get3A_562 = arith.constant 0 : i32
        %get3A_563 = arith.index_cast %get3A_562 : i32 to index
        %get3A_564 = arith.index_cast %scan3A_400 : i32 to index
        %get3A_565 = arith.constant 112 : index
        %get3A_566 = tpu.vector_load %arg10[%get3A_563, %get3A_564, %get3A_565] {strides = array<i32>} : memref<2x40x128xf32, #tpu.memory_space<vmem>>, vector<1x1x16xf32>,
        %get3A_567 = vector.shape_cast %get3A_566 : vector<1x1x16xf32> to vector<16xf32>
        %get3A_568 = arith.constant 0 : i32
        %get3A_569 = arith.index_cast %get3A_568 : i32 to index
        %get3A_570 = arith.index_cast %scan3A_400 : i32 to index
        %get3A_571 = arith.constant 112 : index
        %get3A_572 = tpu.vector_load %arg11[%get3A_569, %get3A_570, %get3A_571] {strides = array<i32>} : memref<2x40x128xf32, #tpu.memory_space<vmem>>, vector<1x1x16xf32>,
        %get3A_573 = vector.shape_cast %get3A_572 : vector<1x1x16xf32> to vector<16xf32>
        %add3A_574 = arith.addf %get3A_567, %get3A_573 : vector<16xf32>
        %max3A_575 = arith.constant 0.000000e+00 : f32
        %max3A_576 = vector.broadcast %max3A_575 : f32 to vector<16xf32>
        %max3A_577 = arith.maximumf %add3A_574, %max3A_576 : vector<16xf32>
        %swap3A_578 = arith.constant 0 : i32
        %swap3A_579 = arith.index_cast %swap3A_578 : i32 to index
        %swap3A_580 = arith.index_cast %scan3A_400 : i32 to index
        %swap3A_581 = arith.constant 112 : index
        %swap3A_582 = tpu.vector_load %arg12[%swap3A_579, %swap3A_580, %swap3A_581] {strides = array<i32>} : memref<2x40x128xf32, #tpu.memory_space<vmem>>, vector<1x1x16xf32>,
        %swap3A_583 = vector.shape_cast %swap3A_582 : vector<1x1x16xf32> to vector<16xf32>
        %swap3A_584 = vector.shape_cast %max3A_577 : vector<16xf32> to vector<1x1x16xf32>
        tpu.vector_store %arg12[%swap3A_579, %swap3A_580, %swap3A_581], %swap3A_584 {strides = array<i32>} : memref<2x40x128xf32, #tpu.memory_space<vmem>>, vector<1x1x16xf32>,
      }
      %scan3A_135 = arith.constant 40 : i32
      %mul3A_136 = arith.constant 40 : i32
      %mul3A_137 = arith.muli %add3A_96, %mul3A_136 : i32
      %multiple_of3A_138 = tpu.assume_multiple %mul3A_137, 8 : i32
      %dma_start3A_139 = arith.constant 0 : i32
      %dma_start3A_140 = arith.constant 0 : i32
      %dma_start3A_141 = arith.constant 0 : i32
      %dma_start3A_142 = tpu.memref_slice %arg12[%dma_start3A_139, %dma_start3A_140, %dma_start3A_141] : memref<2x40x128xf32, #tpu.memory_space<vmem>> -> memref<1x40x128xf32, #tpu.memory_space<vmem>>
      %dma_start3A_143 = tpu.memref_squeeze %dma_start3A_142 : memref<1x40x128xf32, #tpu.memory_space<vmem>> -> memref<40x128xf32, #tpu.memory_space<vmem>>
      %dma_start3A_144 = tpu.memref_slice %arg9[%multiple_of3A_138] : memref<10000xi32, #tpu.memory_space<vmem>> -> memref<40xi32, #tpu.memory_space<vmem>>
      %dma_start3A_145 = arith.constant 0 : i32
      %dma_start3A_146 = arith.constant 0 : i32
      %dma_start3A_147 = tpu.memref_slice %arg13[%dma_start3A_145, %dma_start3A_146] : memref<10000x128xf32, #tpu.memory_space<vmem_shared>> -> memref<10000x128xf32, #tpu.memory_space<vmem_shared>>
      tpu.enqueue_indirect_dma source(%dma_start3A_143 : memref<40x128xf32, #tpu.memory_space<vmem>>) target(%dma_start3A_147 : memref<10000x128xf32, #tpu.memory_space<vmem_shared>>) offsets(%dma_start3A_144 : memref<40xi32, #tpu.memory_space<vmem>>) semaphore(%arg18 : memref<!tpu.dma_semaphore, #tpu.memory_space<semaphore_mem>>) {add = true}
      %add3A_148 = arith.constant 2 : i32
      %add3A_149 = arith.addi %add3A_96, %add3A_148 : i32
      %lt3A = arith.constant 250 : i32
      %lt3A_150 = arith.cmpi slt, %add3A_149, %lt3A : i32
      %convert_element_type3A_151 = arith.extui %lt3A_150 : i1 to i32
      %cond3A_152 = arith.constant 0 : i32
      %cond3A_153 = arith.cmpi ne, %convert_element_type3A_151, %cond3A_152 : i32
      scf.if %cond3A_153 {
        %add3A_217 = arith.constant 2 : i32
        %add3A_218 = arith.addi %add3A_96, %add3A_217 : i32
        %mul3A_219 = arith.constant 40 : i32
        %mul3A_220 = arith.muli %add3A_218, %mul3A_219 : i32
        %multiple_of3A_221 = tpu.assume_multiple %mul3A_220, 8 : i32
        %dma_start3A_222 = arith.constant 0 : i32
        %dma_start3A_223 = arith.constant 0 : i32
        %dma_start3A_224 = arith.constant 0 : i32
        %dma_start3A_225 = tpu.memref_slice %arg10[%dma_start3A_222, %dma_start3A_223, %dma_start3A_224] : memref<2x40x128xf32, #tpu.memory_space<vmem>> -> memref<1x40x128xf32, #tpu.memory_space<vmem>>
        %dma_start3A_226 = tpu.memref_squeeze %dma_start3A_225 : memref<1x40x128xf32, #tpu.memory_space<vmem>> -> memref<40x128xf32, #tpu.memory_space<vmem>>
        %dma_start3A_227 = tpu.memref_slice %arg8[%multiple_of3A_221] : memref<10000xi32, #tpu.memory_space<vmem>> -> memref<40xi32, #tpu.memory_space<vmem>>
        %dma_start3A_228 = arith.constant 0 : i32
        %dma_start3A_229 = arith.constant 0 : i32
        %dma_start3A_230 = tpu.memref_slice %arg4[%dma_start3A_228, %dma_start3A_229] : memref<10000x128xf32, #tpu.memory_space<hbm>> -> memref<10000x128xf32, #tpu.memory_space<hbm>>
        tpu.enqueue_indirect_dma source(%dma_start3A_230 : memref<10000x128xf32, #tpu.memory_space<hbm>>) target(%dma_start3A_226 : memref<40x128xf32, #tpu.memory_space<vmem>>) offsets(%dma_start3A_227 : memref<40xi32, #tpu.memory_space<vmem>>) semaphore(%arg14 : memref<!tpu.dma_semaphore, #tpu.memory_space<semaphore_mem>>)
        %add3A_231 = arith.constant 2 : i32
        %add3A_232 = arith.addi %add3A_96, %add3A_231 : i32
        %mul3A_233 = arith.constant 40 : i32
        %mul3A_234 = arith.muli %add3A_232, %mul3A_233 : i32
        %add3A_235 = arith.addi %mul3A_2, %mul3A_234 : i32
        %multiple_of3A_236 = tpu.assume_multiple %add3A_235, 8 : i32
        %dma_start3A_237 = arith.constant 0 : i32
        %dma_start3A_238 = arith.constant 0 : i32
        %dma_start3A_239 = arith.constant 0 : i32
        %dma_start3A_240 = tpu.memref_slice %arg11[%dma_start3A_237, %dma_start3A_238, %dma_start3A_239] : memref<2x40x128xf32, #tpu.memory_space<vmem>> -> memref<1x40x128xf32, #tpu.memory_space<vmem>>
        %dma_start3A_241 = tpu.memref_squeeze %dma_start3A_240 : memref<1x40x128xf32, #tpu.memory_space<vmem>> -> memref<40x128xf32, #tpu.memory_space<vmem>>
        %dma_start3A_242 = arith.constant 0 : i32
        %dma_start3A_243 = tpu.memref_slice %arg5[%multiple_of3A_236, %dma_start3A_242] : memref<320000x128xf32, #tpu.memory_space<hbm>> -> memref<40x128xf32, #tpu.memory_space<hbm>>
        %dma_start3A_244 = arith.constant 0 : i32
        %dma_start3A_245 = arith.constant 0 : i32
        %dma_start3A_246 = tpu.memref_slice %arg11[%dma_start3A_237, %dma_start3A_244, %dma_start3A_245] : memref<2x40x128xf32, #tpu.memory_space<vmem>> -> memref<1x40x128xf32, #tpu.memory_space<vmem>>
        %dma_start3A_247 = tpu.memref_squeeze %dma_start3A_246 : memref<1x40x128xf32, #tpu.memory_space<vmem>> -> memref<40x128xf32, #tpu.memory_space<vmem>>
        %dma_start3A_248 = arith.constant 0 : i32
        %dma_start3A_249 = tpu.memref_slice %arg5[%multiple_of3A_236, %dma_start3A_248] : memref<320000x128xf32, #tpu.memory_space<hbm>> -> memref<40x128xf32, #tpu.memory_space<hbm>>
        tpu.enqueue_dma source(%dma_start3A_249 : memref<40x128xf32, #tpu.memory_space<hbm>>) target(%dma_start3A_247 : memref<40x128xf32, #tpu.memory_space<vmem>>) target_semaphore(%arg16 : memref<!tpu.dma_semaphore, #tpu.memory_space<semaphore_mem>>)
      } else {
      }
      %mul3A_154 = arith.constant 2 : i32
      %mul3A_155 = arith.muli %mul3A_154, %scan3A_92 : i32
      %add3A_156 = arith.constant 1 : i32
      %add3A_157 = arith.addi %mul3A_155, %add3A_156 : i32
      %ge3A_158 = arith.constant 1 : i32
      %ge3A_159 = arith.cmpi sge, %scan3A_92, %ge3A_158 : i32
      %convert_element_type3A_160 = arith.extui %ge3A_159 : i1 to i32
      %cond3A_161 = arith.constant 0 : i32
      %cond3A_162 = arith.cmpi ne, %convert_element_type3A_160, %cond3A_161 : i32
      scf.if %cond3A_162 {
        %sub3A = arith.constant 2 : i32
        %sub3A_217 = arith.subi %add3A_157, %sub3A : i32
        %mul3A_218 = arith.constant 40 : i32
        %mul3A_219 = arith.muli %sub3A_217, %mul3A_218 : i32
        %multiple_of3A_220 = tpu.assume_multiple %mul3A_219, 8 : i32
        %dma_wait3A_221 = arith.constant 1 : i32
        %dma_wait3A_222 = arith.constant 0 : i32
        %dma_wait3A_223 = arith.constant 0 : i32
        %dma_wait3A_224 = tpu.memref_slice %arg12[%dma_wait3A_221, %dma_wait3A_222, %dma_wait3A_223] : memref<2x40x128xf32, #tpu.memory_space<vmem>> -> memref<1x40x128xf32, #tpu.memory_space<vmem>>
        %dma_wait3A_225 = tpu.memref_squeeze %dma_wait3A_224 : memref<1x40x128xf32, #tpu.memory_space<vmem>> -> memref<40x128xf32, #tpu.memory_space<vmem>>
        %dma_wait3A_226 = tpu.memref_slice %arg9[%multiple_of3A_220] : memref<10000xi32, #tpu.memory_space<vmem>> -> memref<40xi32, #tpu.memory_space<vmem>>
        %dma_wait3A_227 = arith.constant 0 : i32
        %dma_wait3A_228 = arith.constant 0 : i32
        %dma_wait3A_229 = tpu.memref_slice %arg13[%dma_wait3A_227, %dma_wait3A_228] : memref<10000x128xf32, #tpu.memory_space<vmem_shared>> -> memref<10000x128xf32, #tpu.memory_space<vmem_shared>>
        tpu.wait_indirect_dma semaphore(%arg19 : memref<!tpu.dma_semaphore, #tpu.memory_space<semaphore_mem>>) src(%dma_wait3A_225 : memref<40x128xf32, #tpu.memory_space<vmem>>) dst(%dma_wait3A_229 : memref<10000x128xf32, #tpu.memory_space<vmem_shared>>)
      } else {
      }
      %mul3A_163 = arith.constant 40 : i32
      %mul3A_164 = arith.muli %add3A_157, %mul3A_163 : i32
      %multiple_of3A_165 = tpu.assume_multiple %mul3A_164, 8 : i32
      %dma_wait3A_166 = arith.constant 1 : i32
      %dma_wait3A_167 = arith.constant 0 : i32
      %dma_wait3A_168 = arith.constant 0 : i32
      %dma_wait3A_169 = tpu.memref_slice %arg10[%dma_wait3A_166, %dma_wait3A_167, %dma_wait3A_168] : memref<2x40x128xf32, #tpu.memory_space<vmem>> -> memref<1x40x128xf32, #tpu.memory_space<vmem>>
      %dma_wait3A_170 = tpu.memref_squeeze %dma_wait3A_169 : memref<1x40x128xf32, #tpu.memory_space<vmem>> -> memref<40x128xf32, #tpu.memory_space<vmem>>
      %dma_wait3A_171 = tpu.memref_slice %arg8[%multiple_of3A_165] : memref<10000xi32, #tpu.memory_space<vmem>> -> memref<40xi32, #tpu.memory_space<vmem>>
      %dma_wait3A_172 = arith.constant 0 : i32
      %dma_wait3A_173 = arith.constant 0 : i32
      %dma_wait3A_174 = tpu.memref_slice %arg4[%dma_wait3A_172, %dma_wait3A_173] : memref<10000x128xf32, #tpu.memory_space<hbm>> -> memref<10000x128xf32, #tpu.memory_space<hbm>>
      tpu.wait_indirect_dma semaphore(%arg15 : memref<!tpu.dma_semaphore, #tpu.memory_space<semaphore_mem>>) src(%dma_wait3A_174 : memref<10000x128xf32, #tpu.memory_space<hbm>>) dst(%dma_wait3A_170 : memref<40x128xf32, #tpu.memory_space<vmem>>)
      %mul3A_175 = arith.constant 40 : i32
      %mul3A_176 = arith.muli %add3A_157, %mul3A_175 : i32
      %add3A_177 = arith.addi %mul3A_2, %mul3A_176 : i32
      %multiple_of3A_178 = tpu.assume_multiple %add3A_177, 8 : i32
      %dma_wait3A_179 = arith.constant 1 : i32
      %dma_wait3A_180 = arith.constant 0 : i32
      %dma_wait3A_181 = arith.constant 0 : i32
      %dma_wait3A_182 = tpu.memref_slice %arg11[%dma_wait3A_179, %dma_wait3A_180, %dma_wait3A_181] : memref<2x40x128xf32, #tpu.memory_space<vmem>> -> memref<1x40x128xf32, #tpu.memory_space<vmem>>
      %dma_wait3A_183 = tpu.memref_squeeze %dma_wait3A_182 : memref<1x40x128xf32, #tpu.memory_space<vmem>> -> memref<40x128xf32, #tpu.memory_space<vmem>>
      %dma_wait3A_184 = arith.constant 0 : i32
      %dma_wait3A_185 = tpu.memref_slice %arg5[%multiple_of3A_178, %dma_wait3A_184] : memref<320000x128xf32, #tpu.memory_space<hbm>> -> memref<40x128xf32, #tpu.memory_space<hbm>>
      %dma_wait3A_186 = arith.constant 0 : i32
      %dma_wait3A_187 = arith.constant 0 : i32
      %dma_wait3A_188 = tpu.memref_slice %arg11[%dma_wait3A_179, %dma_wait3A_186, %dma_wait3A_187] : memref<2x40x128xf32, #tpu.memory_space<vmem>> -> memref<1x40x128xf32, #tpu.memory_space<vmem>>
      %dma_wait3A_189 = tpu.memref_squeeze %dma_wait3A_188 : memref<1x40x128xf32, #tpu.memory_space<vmem>> -> memref<40x128xf32, #tpu.memory_space<vmem>>
      %dma_wait3A_190 = arith.constant 0 : i32
      %dma_wait3A_191 = tpu.memref_slice %arg5[%multiple_of3A_178, %dma_wait3A_190] : memref<320000x128xf32, #tpu.memory_space<hbm>> -> memref<40x128xf32, #tpu.memory_space<hbm>>
      tpu.wait_dma2 semaphore(%arg17 : memref<!tpu.dma_semaphore, #tpu.memory_space<semaphore_mem>>) src(%dma_wait3A_191 : memref<40x128xf32, #tpu.memory_space<hbm>>) dst(%dma_wait3A_189 : memref<40x128xf32, #tpu.memory_space<vmem>>)
      %scan3A_192 = arith.constant 0 : i32
      %scan3A_193 = arith.constant 0 : i32
      %scan3A_194 = arith.constant 40 : i32
      %scan3A_195 = arith.addi %scan3A_193, %scan3A_194 : i32
      %scan3A_196 = arith.constant 2 : i32
      scf.for %scan3A_217 = %scan3A_193 to %scan3A_195 step %scan3A_196  : i32 {
        %get3A = arith.constant 1 : i32
        %get3A_218 = arith.index_cast %get3A : i32 to index
        %get3A_219 = arith.index_cast %scan3A_217 : i32 to index
        %get3A_220 = arith.constant 0 : index
        %get3A_221 = tpu.vector_load %arg10[%get3A_218, %get3A_219, %get3A_220] {strides = array<i32>} : memref<2x40x128xf32, #tpu.memory_space<vmem>>, vector<1x1x16xf32>,
        %get3A_222 = vector.shape_cast %get3A_221 : vector<1x1x16xf32> to vector<16xf32>
        %get3A_223 = arith.constant 1 : i32
        %get3A_224 = arith.index_cast %get3A_223 : i32 to index
        %get3A_225 = arith.index_cast %scan3A_217 : i32 to index
        %get3A_226 = arith.constant 0 : index
        %get3A_227 = tpu.vector_load %arg11[%get3A_224, %get3A_225, %get3A_226] {strides = array<i32>} : memref<2x40x128xf32, #tpu.memory_space<vmem>>, vector<1x1x16xf32>,
        %get3A_228 = vector.shape_cast %get3A_227 : vector<1x1x16xf32> to vector<16xf32>
        %add3A_229 = arith.addf %get3A_222, %get3A_228 : vector<16xf32>
        %max3A = arith.constant 0.000000e+00 : f32
        %max3A_230 = vector.broadcast %max3A : f32 to vector<16xf32>
        %max3A_231 = arith.maximumf %add3A_229, %max3A_230 : vector<16xf32>
        %swap3A = arith.constant 1 : i32
        %swap3A_232 = arith.index_cast %swap3A : i32 to index
        %swap3A_233 = arith.index_cast %scan3A_217 : i32 to index
        %swap3A_234 = arith.constant 0 : index
        %swap3A_235 = tpu.vector_load %arg12[%swap3A_232, %swap3A_233, %swap3A_234] {strides = array<i32>} : memref<2x40x128xf32, #tpu.memory_space<vmem>>, vector<1x1x16xf32>,
        %swap3A_236 = vector.shape_cast %swap3A_235 : vector<1x1x16xf32> to vector<16xf32>
        %swap3A_237 = vector.shape_cast %max3A_231 : vector<16xf32> to vector<1x1x16xf32>
        tpu.vector_store %arg12[%swap3A_232, %swap3A_233, %swap3A_234], %swap3A_237 {strides = array<i32>} : memref<2x40x128xf32, #tpu.memory_space<vmem>>, vector<1x1x16xf32>,
        %get3A_238 = arith.constant 1 : i32
        %get3A_239 = arith.index_cast %get3A_238 : i32 to index
        %get3A_240 = arith.index_cast %scan3A_217 : i32 to index
        %get3A_241 = arith.constant 16 : index
        %get3A_242 = tpu.vector_load %arg10[%get3A_239, %get3A_240, %get3A_241] {strides = array<i32>} : memref<2x40x128xf32, #tpu.memory_space<vmem>>, vector<1x1x16xf32>,
        %get3A_243 = vector.shape_cast %get3A_242 : vector<1x1x16xf32> to vector<16xf32>
        %get3A_244 = arith.constant 1 : i32
        %get3A_245 = arith.index_cast %get3A_244 : i32 to index
        %get3A_246 = arith.index_cast %scan3A_217 : i32 to index
        %get3A_247 = arith.constant 16 : index
        %get3A_248 = tpu.vector_load %arg11[%get3A_245, %get3A_246, %get3A_247] {strides = array<i32>} : memref<2x40x128xf32, #tpu.memory_space<vmem>>, vector<1x1x16xf32>,
        %get3A_249 = vector.shape_cast %get3A_248 : vector<1x1x16xf32> to vector<16xf32>
        %add3A_250 = arith.addf %get3A_243, %get3A_249 : vector<16xf32>
        %max3A_251 = arith.constant 0.000000e+00 : f32
        %max3A_252 = vector.broadcast %max3A_251 : f32 to vector<16xf32>
        %max3A_253 = arith.maximumf %add3A_250, %max3A_252 : vector<16xf32>
        %swap3A_254 = arith.constant 1 : i32
        %swap3A_255 = arith.index_cast %swap3A_254 : i32 to index
        %swap3A_256 = arith.index_cast %scan3A_217 : i32 to index
        %swap3A_257 = arith.constant 16 : index
        %swap3A_258 = tpu.vector_load %arg12[%swap3A_255, %swap3A_256, %swap3A_257] {strides = array<i32>} : memref<2x40x128xf32, #tpu.memory_space<vmem>>, vector<1x1x16xf32>,
        %swap3A_259 = vector.shape_cast %swap3A_258 : vector<1x1x16xf32> to vector<16xf32>
        %swap3A_260 = vector.shape_cast %max3A_253 : vector<16xf32> to vector<1x1x16xf32>
        tpu.vector_store %arg12[%swap3A_255, %swap3A_256, %swap3A_257], %swap3A_260 {strides = array<i32>} : memref<2x40x128xf32, #tpu.memory_space<vmem>>, vector<1x1x16xf32>,
        %get3A_261 = arith.constant 1 : i32
        %get3A_262 = arith.index_cast %get3A_261 : i32 to index
        %get3A_263 = arith.index_cast %scan3A_217 : i32 to index
        %get3A_264 = arith.constant 32 : index
        %get3A_265 = tpu.vector_load %arg10[%get3A_262, %get3A_263, %get3A_264] {strides = array<i32>} : memref<2x40x128xf32, #tpu.memory_space<vmem>>, vector<1x1x16xf32>,
        %get3A_266 = vector.shape_cast %get3A_265 : vector<1x1x16xf32> to vector<16xf32>
        %get3A_267 = arith.constant 1 : i32
        %get3A_268 = arith.index_cast %get3A_267 : i32 to index
        %get3A_269 = arith.index_cast %scan3A_217 : i32 to index
        %get3A_270 = arith.constant 32 : index
        %get3A_271 = tpu.vector_load %arg11[%get3A_268, %get3A_269, %get3A_270] {strides = array<i32>} : memref<2x40x128xf32, #tpu.memory_space<vmem>>, vector<1x1x16xf32>,
        %get3A_272 = vector.shape_cast %get3A_271 : vector<1x1x16xf32> to vector<16xf32>
        %add3A_273 = arith.addf %get3A_266, %get3A_272 : vector<16xf32>
        %max3A_274 = arith.constant 0.000000e+00 : f32
        %max3A_275 = vector.broadcast %max3A_274 : f32 to vector<16xf32>
        %max3A_276 = arith.maximumf %add3A_273, %max3A_275 : vector<16xf32>
        %swap3A_277 = arith.constant 1 : i32
        %swap3A_278 = arith.index_cast %swap3A_277 : i32 to index
        %swap3A_279 = arith.index_cast %scan3A_217 : i32 to index
        %swap3A_280 = arith.constant 32 : index
        %swap3A_281 = tpu.vector_load %arg12[%swap3A_278, %swap3A_279, %swap3A_280] {strides = array<i32>} : memref<2x40x128xf32, #tpu.memory_space<vmem>>, vector<1x1x16xf32>,
        %swap3A_282 = vector.shape_cast %swap3A_281 : vector<1x1x16xf32> to vector<16xf32>
        %swap3A_283 = vector.shape_cast %max3A_276 : vector<16xf32> to vector<1x1x16xf32>
        tpu.vector_store %arg12[%swap3A_278, %swap3A_279, %swap3A_280], %swap3A_283 {strides = array<i32>} : memref<2x40x128xf32, #tpu.memory_space<vmem>>, vector<1x1x16xf32>,
        %get3A_284 = arith.constant 1 : i32
        %get3A_285 = arith.index_cast %get3A_284 : i32 to index
        %get3A_286 = arith.index_cast %scan3A_217 : i32 to index
        %get3A_287 = arith.constant 48 : index
        %get3A_288 = tpu.vector_load %arg10[%get3A_285, %get3A_286, %get3A_287] {strides = array<i32>} : memref<2x40x128xf32, #tpu.memory_space<vmem>>, vector<1x1x16xf32>,
        %get3A_289 = vector.shape_cast %get3A_288 : vector<1x1x16xf32> to vector<16xf32>
        %get3A_290 = arith.constant 1 : i32
        %get3A_291 = arith.index_cast %get3A_290 : i32 to index
        %get3A_292 = arith.index_cast %scan3A_217 : i32 to index
        %get3A_293 = arith.constant 48 : index
        %get3A_294 = tpu.vector_load %arg11[%get3A_291, %get3A_292, %get3A_293] {strides = array<i32>} : memref<2x40x128xf32, #tpu.memory_space<vmem>>, vector<1x1x16xf32>,
        %get3A_295 = vector.shape_cast %get3A_294 : vector<1x1x16xf32> to vector<16xf32>
        %add3A_296 = arith.addf %get3A_289, %get3A_295 : vector<16xf32>
        %max3A_297 = arith.constant 0.000000e+00 : f32
        %max3A_298 = vector.broadcast %max3A_297 : f32 to vector<16xf32>
        %max3A_299 = arith.maximumf %add3A_296, %max3A_298 : vector<16xf32>
        %swap3A_300 = arith.constant 1 : i32
        %swap3A_301 = arith.index_cast %swap3A_300 : i32 to index
        %swap3A_302 = arith.index_cast %scan3A_217 : i32 to index
        %swap3A_303 = arith.constant 48 : index
        %swap3A_304 = tpu.vector_load %arg12[%swap3A_301, %swap3A_302, %swap3A_303] {strides = array<i32>} : memref<2x40x128xf32, #tpu.memory_space<vmem>>, vector<1x1x16xf32>,
        %swap3A_305 = vector.shape_cast %swap3A_304 : vector<1x1x16xf32> to vector<16xf32>
        %swap3A_306 = vector.shape_cast %max3A_299 : vector<16xf32> to vector<1x1x16xf32>
        tpu.vector_store %arg12[%swap3A_301, %swap3A_302, %swap3A_303], %swap3A_306 {strides = array<i32>} : memref<2x40x128xf32, #tpu.memory_space<vmem>>, vector<1x1x16xf32>,
        %get3A_307 = arith.constant 1 : i32
        %get3A_308 = arith.index_cast %get3A_307 : i32 to index
        %get3A_309 = arith.index_cast %scan3A_217 : i32 to index
        %get3A_310 = arith.constant 64 : index
        %get3A_311 = tpu.vector_load %arg10[%get3A_308, %get3A_309, %get3A_310] {strides = array<i32>} : memref<2x40x128xf32, #tpu.memory_space<vmem>>, vector<1x1x16xf32>,
        %get3A_312 = vector.shape_cast %get3A_311 : vector<1x1x16xf32> to vector<16xf32>
        %get3A_313 = arith.constant 1 : i32
        %get3A_314 = arith.index_cast %get3A_313 : i32 to index
        %get3A_315 = arith.index_cast %scan3A_217 : i32 to index
        %get3A_316 = arith.constant 64 : index
        %get3A_317 = tpu.vector_load %arg11[%get3A_314, %get3A_315, %get3A_316] {strides = array<i32>} : memref<2x40x128xf32, #tpu.memory_space<vmem>>, vector<1x1x16xf32>,
        %get3A_318 = vector.shape_cast %get3A_317 : vector<1x1x16xf32> to vector<16xf32>
        %add3A_319 = arith.addf %get3A_312, %get3A_318 : vector<16xf32>
        %max3A_320 = arith.constant 0.000000e+00 : f32
        %max3A_321 = vector.broadcast %max3A_320 : f32 to vector<16xf32>
        %max3A_322 = arith.maximumf %add3A_319, %max3A_321 : vector<16xf32>
        %swap3A_323 = arith.constant 1 : i32
        %swap3A_324 = arith.index_cast %swap3A_323 : i32 to index
        %swap3A_325 = arith.index_cast %scan3A_217 : i32 to index
        %swap3A_326 = arith.constant 64 : index
        %swap3A_327 = tpu.vector_load %arg12[%swap3A_324, %swap3A_325, %swap3A_326] {strides = array<i32>} : memref<2x40x128xf32, #tpu.memory_space<vmem>>, vector<1x1x16xf32>,
        %swap3A_328 = vector.shape_cast %swap3A_327 : vector<1x1x16xf32> to vector<16xf32>
        %swap3A_329 = vector.shape_cast %max3A_322 : vector<16xf32> to vector<1x1x16xf32>
        tpu.vector_store %arg12[%swap3A_324, %swap3A_325, %swap3A_326], %swap3A_329 {strides = array<i32>} : memref<2x40x128xf32, #tpu.memory_space<vmem>>, vector<1x1x16xf32>,
        %get3A_330 = arith.constant 1 : i32
        %get3A_331 = arith.index_cast %get3A_330 : i32 to index
        %get3A_332 = arith.index_cast %scan3A_217 : i32 to index
        %get3A_333 = arith.constant 80 : index
        %get3A_334 = tpu.vector_load %arg10[%get3A_331, %get3A_332, %get3A_333] {strides = array<i32>} : memref<2x40x128xf32, #tpu.memory_space<vmem>>, vector<1x1x16xf32>,
        %get3A_335 = vector.shape_cast %get3A_334 : vector<1x1x16xf32> to vector<16xf32>
        %get3A_336 = arith.constant 1 : i32
        %get3A_337 = arith.index_cast %get3A_336 : i32 to index
        %get3A_338 = arith.index_cast %scan3A_217 : i32 to index
        %get3A_339 = arith.constant 80 : index
        %get3A_340 = tpu.vector_load %arg11[%get3A_337, %get3A_338, %get3A_339] {strides = array<i32>} : memref<2x40x128xf32, #tpu.memory_space<vmem>>, vector<1x1x16xf32>,
        %get3A_341 = vector.shape_cast %get3A_340 : vector<1x1x16xf32> to vector<16xf32>
        %add3A_342 = arith.addf %get3A_335, %get3A_341 : vector<16xf32>
        %max3A_343 = arith.constant 0.000000e+00 : f32
        %max3A_344 = vector.broadcast %max3A_343 : f32 to vector<16xf32>
        %max3A_345 = arith.maximumf %add3A_342, %max3A_344 : vector<16xf32>
        %swap3A_346 = arith.constant 1 : i32
        %swap3A_347 = arith.index_cast %swap3A_346 : i32 to index
        %swap3A_348 = arith.index_cast %scan3A_217 : i32 to index
        %swap3A_349 = arith.constant 80 : index
        %swap3A_350 = tpu.vector_load %arg12[%swap3A_347, %swap3A_348, %swap3A_349] {strides = array<i32>} : memref<2x40x128xf32, #tpu.memory_space<vmem>>, vector<1x1x16xf32>,
        %swap3A_351 = vector.shape_cast %swap3A_350 : vector<1x1x16xf32> to vector<16xf32>
        %swap3A_352 = vector.shape_cast %max3A_345 : vector<16xf32> to vector<1x1x16xf32>
        tpu.vector_store %arg12[%swap3A_347, %swap3A_348, %swap3A_349], %swap3A_352 {strides = array<i32>} : memref<2x40x128xf32, #tpu.memory_space<vmem>>, vector<1x1x16xf32>,
        %get3A_353 = arith.constant 1 : i32
        %get3A_354 = arith.index_cast %get3A_353 : i32 to index
        %get3A_355 = arith.index_cast %scan3A_217 : i32 to index
        %get3A_356 = arith.constant 96 : index
        %get3A_357 = tpu.vector_load %arg10[%get3A_354, %get3A_355, %get3A_356] {strides = array<i32>} : memref<2x40x128xf32, #tpu.memory_space<vmem>>, vector<1x1x16xf32>,
        %get3A_358 = vector.shape_cast %get3A_357 : vector<1x1x16xf32> to vector<16xf32>
        %get3A_359 = arith.constant 1 : i32
        %get3A_360 = arith.index_cast %get3A_359 : i32 to index
        %get3A_361 = arith.index_cast %scan3A_217 : i32 to index
        %get3A_362 = arith.constant 96 : index
        %get3A_363 = tpu.vector_load %arg11[%get3A_360, %get3A_361, %get3A_362] {strides = array<i32>} : memref<2x40x128xf32, #tpu.memory_space<vmem>>, vector<1x1x16xf32>,
        %get3A_364 = vector.shape_cast %get3A_363 : vector<1x1x16xf32> to vector<16xf32>
        %add3A_365 = arith.addf %get3A_358, %get3A_364 : vector<16xf32>
        %max3A_366 = arith.constant 0.000000e+00 : f32
        %max3A_367 = vector.broadcast %max3A_366 : f32 to vector<16xf32>
        %max3A_368 = arith.maximumf %add3A_365, %max3A_367 : vector<16xf32>
        %swap3A_369 = arith.constant 1 : i32
        %swap3A_370 = arith.index_cast %swap3A_369 : i32 to index
        %swap3A_371 = arith.index_cast %scan3A_217 : i32 to index
        %swap3A_372 = arith.constant 96 : index
        %swap3A_373 = tpu.vector_load %arg12[%swap3A_370, %swap3A_371, %swap3A_372] {strides = array<i32>} : memref<2x40x128xf32, #tpu.memory_space<vmem>>, vector<1x1x16xf32>,
        %swap3A_374 = vector.shape_cast %swap3A_373 : vector<1x1x16xf32> to vector<16xf32>
        %swap3A_375 = vector.shape_cast %max3A_368 : vector<16xf32> to vector<1x1x16xf32>
        tpu.vector_store %arg12[%swap3A_370, %swap3A_371, %swap3A_372], %swap3A_375 {strides = array<i32>} : memref<2x40x128xf32, #tpu.memory_space<vmem>>, vector<1x1x16xf32>,
        %get3A_376 = arith.constant 1 : i32
        %get3A_377 = arith.index_cast %get3A_376 : i32 to index
        %get3A_378 = arith.index_cast %scan3A_217 : i32 to index
        %get3A_379 = arith.constant 112 : index
        %get3A_380 = tpu.vector_load %arg10[%get3A_377, %get3A_378, %get3A_379] {strides = array<i32>} : memref<2x40x128xf32, #tpu.memory_space<vmem>>, vector<1x1x16xf32>,
        %get3A_381 = vector.shape_cast %get3A_380 : vector<1x1x16xf32> to vector<16xf32>
        %get3A_382 = arith.constant 1 : i32
        %get3A_383 = arith.index_cast %get3A_382 : i32 to index
        %get3A_384 = arith.index_cast %scan3A_217 : i32 to index
        %get3A_385 = arith.constant 112 : index
        %get3A_386 = tpu.vector_load %arg11[%get3A_383, %get3A_384, %get3A_385] {strides = array<i32>} : memref<2x40x128xf32, #tpu.memory_space<vmem>>, vector<1x1x16xf32>,
        %get3A_387 = vector.shape_cast %get3A_386 : vector<1x1x16xf32> to vector<16xf32>
        %add3A_388 = arith.addf %get3A_381, %get3A_387 : vector<16xf32>
        %max3A_389 = arith.constant 0.000000e+00 : f32
        %max3A_390 = vector.broadcast %max3A_389 : f32 to vector<16xf32>
        %max3A_391 = arith.maximumf %add3A_388, %max3A_390 : vector<16xf32>
        %swap3A_392 = arith.constant 1 : i32
        %swap3A_393 = arith.index_cast %swap3A_392 : i32 to index
        %swap3A_394 = arith.index_cast %scan3A_217 : i32 to index
        %swap3A_395 = arith.constant 112 : index
        %swap3A_396 = tpu.vector_load %arg12[%swap3A_393, %swap3A_394, %swap3A_395] {strides = array<i32>} : memref<2x40x128xf32, #tpu.memory_space<vmem>>, vector<1x1x16xf32>,
        %swap3A_397 = vector.shape_cast %swap3A_396 : vector<1x1x16xf32> to vector<16xf32>
        %swap3A_398 = vector.shape_cast %max3A_391 : vector<16xf32> to vector<1x1x16xf32>
        tpu.vector_store %arg12[%swap3A_393, %swap3A_394, %swap3A_395], %swap3A_398 {strides = array<i32>} : memref<2x40x128xf32, #tpu.memory_space<vmem>>, vector<1x1x16xf32>,
        %scan3A_399 = arith.constant 1 : i32
        %scan3A_400 = arith.addi %scan3A_217, %scan3A_399 : i32
        %get3A_401 = arith.constant 1 : i32
        %get3A_402 = arith.index_cast %get3A_401 : i32 to index
        %get3A_403 = arith.index_cast %scan3A_400 : i32 to index
        %get3A_404 = arith.constant 0 : index
        %get3A_405 = tpu.vector_load %arg10[%get3A_402, %get3A_403, %get3A_404] {strides = array<i32>} : memref<2x40x128xf32, #tpu.memory_space<vmem>>, vector<1x1x16xf32>,
        %get3A_406 = vector.shape_cast %get3A_405 : vector<1x1x16xf32> to vector<16xf32>
        %get3A_407 = arith.constant 1 : i32
        %get3A_408 = arith.index_cast %get3A_407 : i32 to index
        %get3A_409 = arith.index_cast %scan3A_400 : i32 to index
        %get3A_410 = arith.constant 0 : index
        %get3A_411 = tpu.vector_load %arg11[%get3A_408, %get3A_409, %get3A_410] {strides = array<i32>} : memref<2x40x128xf32, #tpu.memory_space<vmem>>, vector<1x1x16xf32>,
        %get3A_412 = vector.shape_cast %get3A_411 : vector<1x1x16xf32> to vector<16xf32>
        %add3A_413 = arith.addf %get3A_406, %get3A_412 : vector<16xf32>
        %max3A_414 = arith.constant 0.000000e+00 : f32
        %max3A_415 = vector.broadcast %max3A_414 : f32 to vector<16xf32>
        %max3A_416 = arith.maximumf %add3A_413, %max3A_415 : vector<16xf32>
        %swap3A_417 = arith.constant 1 : i32
        %swap3A_418 = arith.index_cast %swap3A_417 : i32 to index
        %swap3A_419 = arith.index_cast %scan3A_400 : i32 to index
        %swap3A_420 = arith.constant 0 : index
        %swap3A_421 = tpu.vector_load %arg12[%swap3A_418, %swap3A_419, %swap3A_420] {strides = array<i32>} : memref<2x40x128xf32, #tpu.memory_space<vmem>>, vector<1x1x16xf32>,
        %swap3A_422 = vector.shape_cast %swap3A_421 : vector<1x1x16xf32> to vector<16xf32>
        %swap3A_423 = vector.shape_cast %max3A_416 : vector<16xf32> to vector<1x1x16xf32>
        tpu.vector_store %arg12[%swap3A_418, %swap3A_419, %swap3A_420], %swap3A_423 {strides = array<i32>} : memref<2x40x128xf32, #tpu.memory_space<vmem>>, vector<1x1x16xf32>,
        %get3A_424 = arith.constant 1 : i32
        %get3A_425 = arith.index_cast %get3A_424 : i32 to index
        %get3A_426 = arith.index_cast %scan3A_400 : i32 to index
        %get3A_427 = arith.constant 16 : index
        %get3A_428 = tpu.vector_load %arg10[%get3A_425, %get3A_426, %get3A_427] {strides = array<i32>} : memref<2x40x128xf32, #tpu.memory_space<vmem>>, vector<1x1x16xf32>,
        %get3A_429 = vector.shape_cast %get3A_428 : vector<1x1x16xf32> to vector<16xf32>
        %get3A_430 = arith.constant 1 : i32
        %get3A_431 = arith.index_cast %get3A_430 : i32 to index
        %get3A_432 = arith.index_cast %scan3A_400 : i32 to index
        %get3A_433 = arith.constant 16 : index
        %get3A_434 = tpu.vector_load %arg11[%get3A_431, %get3A_432, %get3A_433] {strides = array<i32>} : memref<2x40x128xf32, #tpu.memory_space<vmem>>, vector<1x1x16xf32>,
        %get3A_435 = vector.shape_cast %get3A_434 : vector<1x1x16xf32> to vector<16xf32>
        %add3A_436 = arith.addf %get3A_429, %get3A_435 : vector<16xf32>
        %max3A_437 = arith.constant 0.000000e+00 : f32
        %max3A_438 = vector.broadcast %max3A_437 : f32 to vector<16xf32>
        %max3A_439 = arith.maximumf %add3A_436, %max3A_438 : vector<16xf32>
        %swap3A_440 = arith.constant 1 : i32
        %swap3A_441 = arith.index_cast %swap3A_440 : i32 to index
        %swap3A_442 = arith.index_cast %scan3A_400 : i32 to index
        %swap3A_443 = arith.constant 16 : index
        %swap3A_444 = tpu.vector_load %arg12[%swap3A_441, %swap3A_442, %swap3A_443] {strides = array<i32>} : memref<2x40x128xf32, #tpu.memory_space<vmem>>, vector<1x1x16xf32>,
        %swap3A_445 = vector.shape_cast %swap3A_444 : vector<1x1x16xf32> to vector<16xf32>
        %swap3A_446 = vector.shape_cast %max3A_439 : vector<16xf32> to vector<1x1x16xf32>
        tpu.vector_store %arg12[%swap3A_441, %swap3A_442, %swap3A_443], %swap3A_446 {strides = array<i32>} : memref<2x40x128xf32, #tpu.memory_space<vmem>>, vector<1x1x16xf32>,
        %get3A_447 = arith.constant 1 : i32
        %get3A_448 = arith.index_cast %get3A_447 : i32 to index
        %get3A_449 = arith.index_cast %scan3A_400 : i32 to index
        %get3A_450 = arith.constant 32 : index
        %get3A_451 = tpu.vector_load %arg10[%get3A_448, %get3A_449, %get3A_450] {strides = array<i32>} : memref<2x40x128xf32, #tpu.memory_space<vmem>>, vector<1x1x16xf32>,
        %get3A_452 = vector.shape_cast %get3A_451 : vector<1x1x16xf32> to vector<16xf32>
        %get3A_453 = arith.constant 1 : i32
        %get3A_454 = arith.index_cast %get3A_453 : i32 to index
        %get3A_455 = arith.index_cast %scan3A_400 : i32 to index
        %get3A_456 = arith.constant 32 : index
        %get3A_457 = tpu.vector_load %arg11[%get3A_454, %get3A_455, %get3A_456] {strides = array<i32>} : memref<2x40x128xf32, #tpu.memory_space<vmem>>, vector<1x1x16xf32>,
        %get3A_458 = vector.shape_cast %get3A_457 : vector<1x1x16xf32> to vector<16xf32>
        %add3A_459 = arith.addf %get3A_452, %get3A_458 : vector<16xf32>
        %max3A_460 = arith.constant 0.000000e+00 : f32
        %max3A_461 = vector.broadcast %max3A_460 : f32 to vector<16xf32>
        %max3A_462 = arith.maximumf %add3A_459, %max3A_461 : vector<16xf32>
        %swap3A_463 = arith.constant 1 : i32
        %swap3A_464 = arith.index_cast %swap3A_463 : i32 to index
        %swap3A_465 = arith.index_cast %scan3A_400 : i32 to index
        %swap3A_466 = arith.constant 32 : index
        %swap3A_467 = tpu.vector_load %arg12[%swap3A_464, %swap3A_465, %swap3A_466] {strides = array<i32>} : memref<2x40x128xf32, #tpu.memory_space<vmem>>, vector<1x1x16xf32>,
        %swap3A_468 = vector.shape_cast %swap3A_467 : vector<1x1x16xf32> to vector<16xf32>
        %swap3A_469 = vector.shape_cast %max3A_462 : vector<16xf32> to vector<1x1x16xf32>
        tpu.vector_store %arg12[%swap3A_464, %swap3A_465, %swap3A_466], %swap3A_469 {strides = array<i32>} : memref<2x40x128xf32, #tpu.memory_space<vmem>>, vector<1x1x16xf32>,
        %get3A_470 = arith.constant 1 : i32
        %get3A_471 = arith.index_cast %get3A_470 : i32 to index
        %get3A_472 = arith.index_cast %scan3A_400 : i32 to index
        %get3A_473 = arith.constant 48 : index
        %get3A_474 = tpu.vector_load %arg10[%get3A_471, %get3A_472, %get3A_473] {strides = array<i32>} : memref<2x40x128xf32, #tpu.memory_space<vmem>>, vector<1x1x16xf32>,
        %get3A_475 = vector.shape_cast %get3A_474 : vector<1x1x16xf32> to vector<16xf32>
        %get3A_476 = arith.constant 1 : i32
        %get3A_477 = arith.index_cast %get3A_476 : i32 to index
        %get3A_478 = arith.index_cast %scan3A_400 : i32 to index
        %get3A_479 = arith.constant 48 : index
        %get3A_480 = tpu.vector_load %arg11[%get3A_477, %get3A_478, %get3A_479] {strides = array<i32>} : memref<2x40x128xf32, #tpu.memory_space<vmem>>, vector<1x1x16xf32>,
        %get3A_481 = vector.shape_cast %get3A_480 : vector<1x1x16xf32> to vector<16xf32>
        %add3A_482 = arith.addf %get3A_475, %get3A_481 : vector<16xf32>
        %max3A_483 = arith.constant 0.000000e+00 : f32
        %max3A_484 = vector.broadcast %max3A_483 : f32 to vector<16xf32>
        %max3A_485 = arith.maximumf %add3A_482, %max3A_484 : vector<16xf32>
        %swap3A_486 = arith.constant 1 : i32
        %swap3A_487 = arith.index_cast %swap3A_486 : i32 to index
        %swap3A_488 = arith.index_cast %scan3A_400 : i32 to index
        %swap3A_489 = arith.constant 48 : index
        %swap3A_490 = tpu.vector_load %arg12[%swap3A_487, %swap3A_488, %swap3A_489] {strides = array<i32>} : memref<2x40x128xf32, #tpu.memory_space<vmem>>, vector<1x1x16xf32>,
        %swap3A_491 = vector.shape_cast %swap3A_490 : vector<1x1x16xf32> to vector<16xf32>
        %swap3A_492 = vector.shape_cast %max3A_485 : vector<16xf32> to vector<1x1x16xf32>
        tpu.vector_store %arg12[%swap3A_487, %swap3A_488, %swap3A_489], %swap3A_492 {strides = array<i32>} : memref<2x40x128xf32, #tpu.memory_space<vmem>>, vector<1x1x16xf32>,
        %get3A_493 = arith.constant 1 : i32
        %get3A_494 = arith.index_cast %get3A_493 : i32 to index
        %get3A_495 = arith.index_cast %scan3A_400 : i32 to index
        %get3A_496 = arith.constant 64 : index
        %get3A_497 = tpu.vector_load %arg10[%get3A_494, %get3A_495, %get3A_496] {strides = array<i32>} : memref<2x40x128xf32, #tpu.memory_space<vmem>>, vector<1x1x16xf32>,
        %get3A_498 = vector.shape_cast %get3A_497 : vector<1x1x16xf32> to vector<16xf32>
        %get3A_499 = arith.constant 1 : i32
        %get3A_500 = arith.index_cast %get3A_499 : i32 to index
        %get3A_501 = arith.index_cast %scan3A_400 : i32 to index
        %get3A_502 = arith.constant 64 : index
        %get3A_503 = tpu.vector_load %arg11[%get3A_500, %get3A_501, %get3A_502] {strides = array<i32>} : memref<2x40x128xf32, #tpu.memory_space<vmem>>, vector<1x1x16xf32>,
        %get3A_504 = vector.shape_cast %get3A_503 : vector<1x1x16xf32> to vector<16xf32>
        %add3A_505 = arith.addf %get3A_498, %get3A_504 : vector<16xf32>
        %max3A_506 = arith.constant 0.000000e+00 : f32
        %max3A_507 = vector.broadcast %max3A_506 : f32 to vector<16xf32>
        %max3A_508 = arith.maximumf %add3A_505, %max3A_507 : vector<16xf32>
        %swap3A_509 = arith.constant 1 : i32
        %swap3A_510 = arith.index_cast %swap3A_509 : i32 to index
        %swap3A_511 = arith.index_cast %scan3A_400 : i32 to index
        %swap3A_512 = arith.constant 64 : index
        %swap3A_513 = tpu.vector_load %arg12[%swap3A_510, %swap3A_511, %swap3A_512] {strides = array<i32>} : memref<2x40x128xf32, #tpu.memory_space<vmem>>, vector<1x1x16xf32>,
        %swap3A_514 = vector.shape_cast %swap3A_513 : vector<1x1x16xf32> to vector<16xf32>
        %swap3A_515 = vector.shape_cast %max3A_508 : vector<16xf32> to vector<1x1x16xf32>
        tpu.vector_store %arg12[%swap3A_510, %swap3A_511, %swap3A_512], %swap3A_515 {strides = array<i32>} : memref<2x40x128xf32, #tpu.memory_space<vmem>>, vector<1x1x16xf32>,
        %get3A_516 = arith.constant 1 : i32
        %get3A_517 = arith.index_cast %get3A_516 : i32 to index
        %get3A_518 = arith.index_cast %scan3A_400 : i32 to index
        %get3A_519 = arith.constant 80 : index
        %get3A_520 = tpu.vector_load %arg10[%get3A_517, %get3A_518, %get3A_519] {strides = array<i32>} : memref<2x40x128xf32, #tpu.memory_space<vmem>>, vector<1x1x16xf32>,
        %get3A_521 = vector.shape_cast %get3A_520 : vector<1x1x16xf32> to vector<16xf32>
        %get3A_522 = arith.constant 1 : i32
        %get3A_523 = arith.index_cast %get3A_522 : i32 to index
        %get3A_524 = arith.index_cast %scan3A_400 : i32 to index
        %get3A_525 = arith.constant 80 : index
        %get3A_526 = tpu.vector_load %arg11[%get3A_523, %get3A_524, %get3A_525] {strides = array<i32>} : memref<2x40x128xf32, #tpu.memory_space<vmem>>, vector<1x1x16xf32>,
        %get3A_527 = vector.shape_cast %get3A_526 : vector<1x1x16xf32> to vector<16xf32>
        %add3A_528 = arith.addf %get3A_521, %get3A_527 : vector<16xf32>
        %max3A_529 = arith.constant 0.000000e+00 : f32
        %max3A_530 = vector.broadcast %max3A_529 : f32 to vector<16xf32>
        %max3A_531 = arith.maximumf %add3A_528, %max3A_530 : vector<16xf32>
        %swap3A_532 = arith.constant 1 : i32
        %swap3A_533 = arith.index_cast %swap3A_532 : i32 to index
        %swap3A_534 = arith.index_cast %scan3A_400 : i32 to index
        %swap3A_535 = arith.constant 80 : index
        %swap3A_536 = tpu.vector_load %arg12[%swap3A_533, %swap3A_534, %swap3A_535] {strides = array<i32>} : memref<2x40x128xf32, #tpu.memory_space<vmem>>, vector<1x1x16xf32>,
        %swap3A_537 = vector.shape_cast %swap3A_536 : vector<1x1x16xf32> to vector<16xf32>
        %swap3A_538 = vector.shape_cast %max3A_531 : vector<16xf32> to vector<1x1x16xf32>
        tpu.vector_store %arg12[%swap3A_533, %swap3A_534, %swap3A_535], %swap3A_538 {strides = array<i32>} : memref<2x40x128xf32, #tpu.memory_space<vmem>>, vector<1x1x16xf32>,
        %get3A_539 = arith.constant 1 : i32
        %get3A_540 = arith.index_cast %get3A_539 : i32 to index
        %get3A_541 = arith.index_cast %scan3A_400 : i32 to index
        %get3A_542 = arith.constant 96 : index
        %get3A_543 = tpu.vector_load %arg10[%get3A_540, %get3A_541, %get3A_542] {strides = array<i32>} : memref<2x40x128xf32, #tpu.memory_space<vmem>>, vector<1x1x16xf32>,
        %get3A_544 = vector.shape_cast %get3A_543 : vector<1x1x16xf32> to vector<16xf32>
        %get3A_545 = arith.constant 1 : i32
        %get3A_546 = arith.index_cast %get3A_545 : i32 to index
        %get3A_547 = arith.index_cast %scan3A_400 : i32 to index
        %get3A_548 = arith.constant 96 : index
        %get3A_549 = tpu.vector_load %arg11[%get3A_546, %get3A_547, %get3A_548] {strides = array<i32>} : memref<2x40x128xf32, #tpu.memory_space<vmem>>, vector<1x1x16xf32>,
        %get3A_550 = vector.shape_cast %get3A_549 : vector<1x1x16xf32> to vector<16xf32>
        %add3A_551 = arith.addf %get3A_544, %get3A_550 : vector<16xf32>
        %max3A_552 = arith.constant 0.000000e+00 : f32
        %max3A_553 = vector.broadcast %max3A_552 : f32 to vector<16xf32>
        %max3A_554 = arith.maximumf %add3A_551, %max3A_553 : vector<16xf32>
        %swap3A_555 = arith.constant 1 : i32
        %swap3A_556 = arith.index_cast %swap3A_555 : i32 to index
        %swap3A_557 = arith.index_cast %scan3A_400 : i32 to index
        %swap3A_558 = arith.constant 96 : index
        %swap3A_559 = tpu.vector_load %arg12[%swap3A_556, %swap3A_557, %swap3A_558] {strides = array<i32>} : memref<2x40x128xf32, #tpu.memory_space<vmem>>, vector<1x1x16xf32>,
        %swap3A_560 = vector.shape_cast %swap3A_559 : vector<1x1x16xf32> to vector<16xf32>
        %swap3A_561 = vector.shape_cast %max3A_554 : vector<16xf32> to vector<1x1x16xf32>
        tpu.vector_store %arg12[%swap3A_556, %swap3A_557, %swap3A_558], %swap3A_561 {strides = array<i32>} : memref<2x40x128xf32, #tpu.memory_space<vmem>>, vector<1x1x16xf32>,
        %get3A_562 = arith.constant 1 : i32
        %get3A_563 = arith.index_cast %get3A_562 : i32 to index
        %get3A_564 = arith.index_cast %scan3A_400 : i32 to index
        %get3A_565 = arith.constant 112 : index
        %get3A_566 = tpu.vector_load %arg10[%get3A_563, %get3A_564, %get3A_565] {strides = array<i32>} : memref<2x40x128xf32, #tpu.memory_space<vmem>>, vector<1x1x16xf32>,
        %get3A_567 = vector.shape_cast %get3A_566 : vector<1x1x16xf32> to vector<16xf32>
        %get3A_568 = arith.constant 1 : i32
        %get3A_569 = arith.index_cast %get3A_568 : i32 to index
        %get3A_570 = arith.index_cast %scan3A_400 : i32 to index
        %get3A_571 = arith.constant 112 : index
        %get3A_572 = tpu.vector_load %arg11[%get3A_569, %get3A_570, %get3A_571] {strides = array<i32>} : memref<2x40x128xf32, #tpu.memory_space<vmem>>, vector<1x1x16xf32>,
        %get3A_573 = vector.shape_cast %get3A_572 : vector<1x1x16xf32> to vector<16xf32>
        %add3A_574 = arith.addf %get3A_567, %get3A_573 : vector<16xf32>
        %max3A_575 = arith.constant 0.000000e+00 : f32
        %max3A_576 = vector.broadcast %max3A_575 : f32 to vector<16xf32>
        %max3A_577 = arith.maximumf %add3A_574, %max3A_576 : vector<16xf32>
        %swap3A_578 = arith.constant 1 : i32
        %swap3A_579 = arith.index_cast %swap3A_578 : i32 to index
        %swap3A_580 = arith.index_cast %scan3A_400 : i32 to index
        %swap3A_581 = arith.constant 112 : index
        %swap3A_582 = tpu.vector_load %arg12[%swap3A_579, %swap3A_580, %swap3A_581] {strides = array<i32>} : memref<2x40x128xf32, #tpu.memory_space<vmem>>, vector<1x1x16xf32>,
        %swap3A_583 = vector.shape_cast %swap3A_582 : vector<1x1x16xf32> to vector<16xf32>
        %swap3A_584 = vector.shape_cast %max3A_577 : vector<16xf32> to vector<1x1x16xf32>
        tpu.vector_store %arg12[%swap3A_579, %swap3A_580, %swap3A_581], %swap3A_584 {strides = array<i32>} : memref<2x40x128xf32, #tpu.memory_space<vmem>>, vector<1x1x16xf32>,
      }
      %scan3A_197 = arith.constant 40 : i32
      %mul3A_198 = arith.constant 40 : i32
      %mul3A_199 = arith.muli %add3A_157, %mul3A_198 : i32
      %multiple_of3A_200 = tpu.assume_multiple %mul3A_199, 8 : i32
      %dma_start3A_201 = arith.constant 1 : i32
      %dma_start3A_202 = arith.constant 0 : i32
      %dma_start3A_203 = arith.constant 0 : i32
      %dma_start3A_204 = tpu.memref_slice %arg12[%dma_start3A_201, %dma_start3A_202, %dma_start3A_203] : memref<2x40x128xf32, #tpu.memory_space<vmem>> -> memref<1x40x128xf32, #tpu.memory_space<vmem>>
      %dma_start3A_205 = tpu.memref_squeeze %dma_start3A_204 : memref<1x40x128xf32, #tpu.memory_space<vmem>> -> memref<40x128xf32, #tpu.memory_space<vmem>>
      %dma_start3A_206 = tpu.memref_slice %arg9[%multiple_of3A_200] : memref<10000xi32, #tpu.memory_space<vmem>> -> memref<40xi32, #tpu.memory_space<vmem>>
      %dma_start3A_207 = arith.constant 0 : i32
      %dma_start3A_208 = arith.constant 0 : i32
      %dma_start3A_209 = tpu.memref_slice %arg13[%dma_start3A_207, %dma_start3A_208] : memref<10000x128xf32, #tpu.memory_space<vmem_shared>> -> memref<10000x128xf32, #tpu.memory_space<vmem_shared>>
      tpu.enqueue_indirect_dma source(%dma_start3A_205 : memref<40x128xf32, #tpu.memory_space<vmem>>) target(%dma_start3A_209 : memref<10000x128xf32, #tpu.memory_space<vmem_shared>>) offsets(%dma_start3A_206 : memref<40xi32, #tpu.memory_space<vmem>>) semaphore(%arg19 : memref<!tpu.dma_semaphore, #tpu.memory_space<semaphore_mem>>) {add = true}
      %add3A_210 = arith.constant 2 : i32
      %add3A_211 = arith.addi %add3A_157, %add3A_210 : i32
      %lt3A_212 = arith.constant 250 : i32
      %lt3A_213 = arith.cmpi slt, %add3A_211, %lt3A_212 : i32
      %convert_element_type3A_214 = arith.extui %lt3A_213 : i1 to i32
      %cond3A_215 = arith.constant 0 : i32
      %cond3A_216 = arith.cmpi ne, %convert_element_type3A_214, %cond3A_215 : i32
      scf.if %cond3A_216 {
        %add3A_217 = arith.constant 2 : i32
        %add3A_218 = arith.addi %add3A_157, %add3A_217 : i32
        %mul3A_219 = arith.constant 40 : i32
        %mul3A_220 = arith.muli %add3A_218, %mul3A_219 : i32
        %multiple_of3A_221 = tpu.assume_multiple %mul3A_220, 8 : i32
        %dma_start3A_222 = arith.constant 1 : i32
        %dma_start3A_223 = arith.constant 0 : i32
        %dma_start3A_224 = arith.constant 0 : i32
        %dma_start3A_225 = tpu.memref_slice %arg10[%dma_start3A_222, %dma_start3A_223, %dma_start3A_224] : memref<2x40x128xf32, #tpu.memory_space<vmem>> -> memref<1x40x128xf32, #tpu.memory_space<vmem>>
        %dma_start3A_226 = tpu.memref_squeeze %dma_start3A_225 : memref<1x40x128xf32, #tpu.memory_space<vmem>> -> memref<40x128xf32, #tpu.memory_space<vmem>>
        %dma_start3A_227 = tpu.memref_slice %arg8[%multiple_of3A_221] : memref<10000xi32, #tpu.memory_space<vmem>> -> memref<40xi32, #tpu.memory_space<vmem>>
        %dma_start3A_228 = arith.constant 0 : i32
        %dma_start3A_229 = arith.constant 0 : i32
        %dma_start3A_230 = tpu.memref_slice %arg4[%dma_start3A_228, %dma_start3A_229] : memref<10000x128xf32, #tpu.memory_space<hbm>> -> memref<10000x128xf32, #tpu.memory_space<hbm>>
        tpu.enqueue_indirect_dma source(%dma_start3A_230 : memref<10000x128xf32, #tpu.memory_space<hbm>>) target(%dma_start3A_226 : memref<40x128xf32, #tpu.memory_space<vmem>>) offsets(%dma_start3A_227 : memref<40xi32, #tpu.memory_space<vmem>>) semaphore(%arg15 : memref<!tpu.dma_semaphore, #tpu.memory_space<semaphore_mem>>)
        %add3A_231 = arith.constant 2 : i32
        %add3A_232 = arith.addi %add3A_157, %add3A_231 : i32
        %mul3A_233 = arith.constant 40 : i32
        %mul3A_234 = arith.muli %add3A_232, %mul3A_233 : i32
        %add3A_235 = arith.addi %mul3A_2, %mul3A_234 : i32
        %multiple_of3A_236 = tpu.assume_multiple %add3A_235, 8 : i32
        %dma_start3A_237 = arith.constant 1 : i32
        %dma_start3A_238 = arith.constant 0 : i32
        %dma_start3A_239 = arith.constant 0 : i32
        %dma_start3A_240 = tpu.memref_slice %arg11[%dma_start3A_237, %dma_start3A_238, %dma_start3A_239] : memref<2x40x128xf32, #tpu.memory_space<vmem>> -> memref<1x40x128xf32, #tpu.memory_space<vmem>>
        %dma_start3A_241 = tpu.memref_squeeze %dma_start3A_240 : memref<1x40x128xf32, #tpu.memory_space<vmem>> -> memref<40x128xf32, #tpu.memory_space<vmem>>
        %dma_start3A_242 = arith.constant 0 : i32
        %dma_start3A_243 = tpu.memref_slice %arg5[%multiple_of3A_236, %dma_start3A_242] : memref<320000x128xf32, #tpu.memory_space<hbm>> -> memref<40x128xf32, #tpu.memory_space<hbm>>
        %dma_start3A_244 = arith.constant 0 : i32
        %dma_start3A_245 = arith.constant 0 : i32
        %dma_start3A_246 = tpu.memref_slice %arg11[%dma_start3A_237, %dma_start3A_244, %dma_start3A_245] : memref<2x40x128xf32, #tpu.memory_space<vmem>> -> memref<1x40x128xf32, #tpu.memory_space<vmem>>
        %dma_start3A_247 = tpu.memref_squeeze %dma_start3A_246 : memref<1x40x128xf32, #tpu.memory_space<vmem>> -> memref<40x128xf32, #tpu.memory_space<vmem>>
        %dma_start3A_248 = arith.constant 0 : i32
        %dma_start3A_249 = tpu.memref_slice %arg5[%multiple_of3A_236, %dma_start3A_248] : memref<320000x128xf32, #tpu.memory_space<hbm>> -> memref<40x128xf32, #tpu.memory_space<hbm>>
        tpu.enqueue_dma source(%dma_start3A_249 : memref<40x128xf32, #tpu.memory_space<hbm>>) target(%dma_start3A_247 : memref<40x128xf32, #tpu.memory_space<vmem>>) target_semaphore(%arg17 : memref<!tpu.dma_semaphore, #tpu.memory_space<semaphore_mem>>)
      } else {
      }
    }
    %scan3A_64 = arith.constant 125 : i32
    %multiple_of3A_65 = arith.constant 9920 : i32
    %multiple_of3A_66 = tpu.assume_multiple %multiple_of3A_65, 8 : i32
    %dma_wait3A = arith.constant 0 : i32
    %dma_wait3A_67 = arith.constant 0 : i32
    %dma_wait3A_68 = arith.constant 0 : i32
    %dma_wait3A_69 = tpu.memref_slice %arg12[%dma_wait3A, %dma_wait3A_67, %dma_wait3A_68] : memref<2x40x128xf32, #tpu.memory_space<vmem>> -> memref<1x40x128xf32, #tpu.memory_space<vmem>>
    %dma_wait3A_70 = tpu.memref_squeeze %dma_wait3A_69 : memref<1x40x128xf32, #tpu.memory_space<vmem>> -> memref<40x128xf32, #tpu.memory_space<vmem>>
    %dma_wait3A_71 = tpu.memref_slice %arg9[%multiple_of3A_66] : memref<10000xi32, #tpu.memory_space<vmem>> -> memref<40xi32, #tpu.memory_space<vmem>>
    %dma_wait3A_72 = arith.constant 0 : i32
    %dma_wait3A_73 = arith.constant 0 : i32
    %dma_wait3A_74 = tpu.memref_slice %arg13[%dma_wait3A_72, %dma_wait3A_73] : memref<10000x128xf32, #tpu.memory_space<vmem_shared>> -> memref<10000x128xf32, #tpu.memory_space<vmem_shared>>
    tpu.wait_indirect_dma semaphore(%arg18 : memref<!tpu.dma_semaphore, #tpu.memory_space<semaphore_mem>>) src(%dma_wait3A_70 : memref<40x128xf32, #tpu.memory_space<vmem>>) dst(%dma_wait3A_74 : memref<10000x128xf32, #tpu.memory_space<vmem_shared>>)
    %multiple_of3A_75 = arith.constant 9960 : i32
    %multiple_of3A_76 = tpu.assume_multiple %multiple_of3A_75, 8 : i32
    %dma_wait3A_77 = arith.constant 1 : i32
    %dma_wait3A_78 = arith.constant 0 : i32
    %dma_wait3A_79 = arith.constant 0 : i32
    %dma_wait3A_80 = tpu.memref_slice %arg12[%dma_wait3A_77, %dma_wait3A_78, %dma_wait3A_79] : memref<2x40x128xf32, #tpu.memory_space<vmem>> -> memref<1x40x128xf32, #tpu.memory_space<vmem>>
    %dma_wait3A_81 = tpu.memref_squeeze %dma_wait3A_80 : memref<1x40x128xf32, #tpu.memory_space<vmem>> -> memref<40x128xf32, #tpu.memory_space<vmem>>
    %dma_wait3A_82 = tpu.memref_slice %arg9[%multiple_of3A_76] : memref<10000xi32, #tpu.memory_space<vmem>> -> memref<40xi32, #tpu.memory_space<vmem>>
    %dma_wait3A_83 = arith.constant 0 : i32
    %dma_wait3A_84 = arith.constant 0 : i32
    %dma_wait3A_85 = tpu.memref_slice %arg13[%dma_wait3A_83, %dma_wait3A_84] : memref<10000x128xf32, #tpu.memory_space<vmem_shared>> -> memref<10000x128xf32, #tpu.memory_space<vmem_shared>>
    tpu.wait_indirect_dma semaphore(%arg19 : memref<!tpu.dma_semaphore, #tpu.memory_space<semaphore_mem>>) src(%dma_wait3A_81 : memref<40x128xf32, #tpu.memory_space<vmem>>) dst(%dma_wait3A_85 : memref<10000x128xf32, #tpu.memory_space<vmem_shared>>)
    %barrier3A_86 = arith.constant 0 : index
    tpu.barrier barrier_id(%barrier3A_86)
    "tpu.region"() ({
      %run_scoped3A = tpu.sem_alloc : memref<!tpu.dma_semaphore, #tpu.memory_space<semaphore_mem>>
      %dma_start3A_92 = arith.constant 0 : i32
      %dma_start3A_93 = tpu.memref_slice %arg7[%arg0, %multiple_of3A, %dma_start3A_92] : memref<2x10000x128xf32, #tpu.memory_space<hbm>> -> memref<1x624x128xf32, #tpu.memory_space<hbm>>
      %dma_start3A_94 = tpu.memref_squeeze %dma_start3A_93 : memref<1x624x128xf32, #tpu.memory_space<hbm>> -> memref<624x128xf32, #tpu.memory_space<hbm>>
      %dma_start3A_95 = arith.constant 0 : i32
      %dma_start3A_96 = tpu.memref_slice %arg13[%multiple_of3A, %dma_start3A_95] : memref<10000x128xf32, #tpu.memory_space<vmem_shared>> -> memref<624x128xf32, #tpu.memory_space<vmem_shared>>
      tpu.enqueue_dma source(%dma_start3A_96 : memref<624x128xf32, #tpu.memory_space<vmem_shared>>) target(%dma_start3A_94 : memref<624x128xf32, #tpu.memory_space<hbm>>) target_semaphore(%run_scoped3A : memref<!tpu.dma_semaphore, #tpu.memory_space<semaphore_mem>>)
      %dma_wait3A_97 = arith.constant 0 : i32
      %dma_wait3A_98 = tpu.memref_slice %arg7[%arg0, %multiple_of3A, %dma_wait3A_97] : memref<2x10000x128xf32, #tpu.memory_space<hbm>> -> memref<1x624x128xf32, #tpu.memory_space<hbm>>
      %dma_wait3A_99 = tpu.memref_squeeze %dma_wait3A_98 : memref<1x624x128xf32, #tpu.memory_space<hbm>> -> memref<624x128xf32, #tpu.memory_space<hbm>>
      %dma_wait3A_100 = arith.constant 0 : i32
      %dma_wait3A_101 = tpu.memref_slice %arg13[%multiple_of3A, %dma_wait3A_100] : memref<10000x128xf32, #tpu.memory_space<vmem_shared>> -> memref<624x128xf32, #tpu.memory_space<vmem_shared>>
      tpu.wait_dma2 semaphore(%run_scoped3A : memref<!tpu.dma_semaphore, #tpu.memory_space<semaphore_mem>>) src(%dma_wait3A_101 : memref<624x128xf32, #tpu.memory_space<vmem_shared>>) dst(%dma_wait3A_99 : memref<624x128xf32, #tpu.memory_space<hbm>>)
      tpu.yield
    }) : () -> ()
    %eq3A_87 = arith.constant 0 : i32
    %eq3A_88 = arith.cmpi eq, %arg1, %eq3A_87 : i32
    %convert_element_type3A_89 = arith.extui %eq3A_88 : i1 to i32
    %cond3A_90 = arith.constant 0 : i32
    %cond3A_91 = arith.cmpi ne, %convert_element_type3A_89, %cond3A_90 : i32
    scf.if %cond3A_91 {
      "tpu.region"() ({
        %run_scoped3A = tpu.sem_alloc : memref<!tpu.dma_semaphore, #tpu.memory_space<semaphore_mem>>
        %dma_start3A_92 = arith.constant 9984 : i32
        %dma_start3A_93 = arith.constant 0 : i32
        %dma_start3A_94 = tpu.memref_slice %arg7[%arg0, %dma_start3A_92, %dma_start3A_93] : memref<2x10000x128xf32, #tpu.memory_space<hbm>> -> memref<1x16x128xf32, #tpu.memory_space<hbm>>
        %dma_start3A_95 = tpu.memref_squeeze %dma_start3A_94 : memref<1x16x128xf32, #tpu.memory_space<hbm>> -> memref<16x128xf32, #tpu.memory_space<hbm>>
        %dma_start3A_96 = arith.constant 9984 : i32
        %dma_start3A_97 = arith.constant 0 : i32
        %dma_start3A_98 = tpu.memref_slice %arg13[%dma_start3A_96, %dma_start3A_97] : memref<10000x128xf32, #tpu.memory_space<vmem_shared>> -> memref<16x128xf32, #tpu.memory_space<vmem_shared>>
        tpu.enqueue_dma source(%dma_start3A_98 : memref<16x128xf32, #tpu.memory_space<vmem_shared>>) target(%dma_start3A_95 : memref<16x128xf32, #tpu.memory_space<hbm>>) target_semaphore(%run_scoped3A : memref<!tpu.dma_semaphore, #tpu.memory_space<semaphore_mem>>)
        %dma_wait3A_99 = arith.constant 9984 : i32
        %dma_wait3A_100 = arith.constant 0 : i32
        %dma_wait3A_101 = tpu.memref_slice %arg7[%arg0, %dma_wait3A_99, %dma_wait3A_100] : memref<2x10000x128xf32, #tpu.memory_space<hbm>> -> memref<1x16x128xf32, #tpu.memory_space<hbm>>
        %dma_wait3A_102 = tpu.memref_squeeze %dma_wait3A_101 : memref<1x16x128xf32, #tpu.memory_space<hbm>> -> memref<16x128xf32, #tpu.memory_space<hbm>>
        %dma_wait3A_103 = arith.constant 9984 : i32
        %dma_wait3A_104 = arith.constant 0 : i32
        %dma_wait3A_105 = tpu.memref_slice %arg13[%dma_wait3A_103, %dma_wait3A_104] : memref<10000x128xf32, #tpu.memory_space<vmem_shared>> -> memref<16x128xf32, #tpu.memory_space<vmem_shared>>
        tpu.wait_dma2 semaphore(%run_scoped3A : memref<!tpu.dma_semaphore, #tpu.memory_space<semaphore_mem>>) src(%dma_wait3A_105 : memref<16x128xf32, #tpu.memory_space<vmem_shared>>) dst(%dma_wait3A_102 : memref<16x128xf32, #tpu.memory_space<hbm>>)
        tpu.yield
      }) : () -> ()
    } else {
    }
    return
  }
}

module attributes {stable_mosaic.version = 14 : i64} {
  func.func @_yz_body(%arg0: memref<10000x128xf32, #tpu.memory_space<vmem>>, %arg1: memref<128x128xf32, #tpu.memory_space<vmem>>, %arg2: memref<10000x128xf32, #tpu.memory_space<vmem>>) attributes {dimension_semantics = [], scalar_prefetch = 0 : i64, scratch_operands = 0 : i64, tpu.core_type = #tpu.core_type<tc>} {
    %get3A = arith.constant 0 : index
    %get3A_0 = arith.constant 0 : index
    %get3A_1 = vector.load %arg0[%get3A, %get3A_0] : memref<10000x128xf32, #tpu.memory_space<vmem>>, vector<10000x128xf32>
    %get3A_2 = arith.constant 0 : index
    %get3A_3 = arith.constant 0 : index
    %get3A_4 = vector.load %arg1[%get3A_2, %get3A_3] : memref<128x128xf32, #tpu.memory_space<vmem>>, vector<128x128xf32>
    %dot_general3A = arith.constant dense<0.000000e+00> : vector<10000x128xf32>
    %dot_general3A_5 = tpu.matmul %get3A_1, %get3A_4, %dot_general3A {dimension_numbers = #tpu.dot_dimension_numbers<[1], [0], [0], [1], [0, 0, 1, 1], [], []>, transpose_lhs_hint = false} : vector<10000x128xf32>, vector<128x128xf32>, vector<10000x128xf32> -> vector<10000x128xf32>
    %swap3A = arith.constant 0 : index
    %swap3A_6 = arith.constant 0 : index
    %swap3A_7 = vector.load %arg2[%swap3A, %swap3A_6] : memref<10000x128xf32, #tpu.memory_space<vmem>>, vector<10000x128xf32>
    tpu.vector_store %arg2[%swap3A, %swap3A_6], %dot_general3A_5 {strides = array<i32>} : memref<10000x128xf32, #tpu.memory_space<vmem>>, vector<10000x128xf32>,
    return
  }
}

module attributes {stable_mosaic.version = 14 : i64} {
  func.func @_z_body(%arg0: i32, %arg1: memref<8000x16xf32, #tpu.memory_space<vmem>>, %arg2: memref<16x128xf32, #tpu.memory_space<vmem>>, %arg3: memref<1x128xf32, #tpu.memory_space<vmem>>, %arg4: memref<8000x128xf32, #tpu.memory_space<vmem>>) attributes {dimension_semantics = [#tpu.dimension_semantics<arbitrary>], iteration_bounds = array<i64: 40>, scalar_prefetch = 0 : i64, scratch_operands = 0 : i64, tpu.core_type = #tpu.core_type<tc>, window_params = [{transform_indices = @transform_0, window_bounds = array<i64: 8000, 16>}, {pipeline_mode = #tpu.pipeline_mode<synchronous>, transform_indices = @transform_1, window_bounds = array<i64: 16, 128>}, {pipeline_mode = #tpu.pipeline_mode<synchronous>, transform_indices = @transform_2, window_bounds = array<i64: 1, 128>}, {transform_indices = @transform_3, window_bounds = array<i64: 8000, 128>}]} {
    %get3A = arith.constant 0 : index
    %get3A_0 = arith.constant 0 : index
    %get3A_1 = vector.load %arg1[%get3A, %get3A_0] : memref<8000x16xf32, #tpu.memory_space<vmem>>, vector<8000x16xf32>
    %get3A_2 = arith.constant 0 : index
    %get3A_3 = arith.constant 0 : index
    %get3A_4 = vector.load %arg2[%get3A_2, %get3A_3] : memref<16x128xf32, #tpu.memory_space<vmem>>, vector<16x128xf32>
    %dot_general3A = arith.constant dense<0.000000e+00> : vector<8000x128xf32>
    %dot_general3A_5 = tpu.matmul %get3A_1, %get3A_4, %dot_general3A {dimension_numbers = #tpu.dot_dimension_numbers<[1], [0], [0], [1], [0, 0, 1, 1], [], []>, transpose_lhs_hint = false} : vector<8000x16xf32>, vector<16x128xf32>, vector<8000x128xf32> -> vector<8000x128xf32>
    %get3A_6 = arith.constant 0 : index
    %get3A_7 = arith.constant 0 : index
    %get3A_8 = vector.load %arg3[%get3A_6, %get3A_7] : memref<1x128xf32, #tpu.memory_space<vmem>>, vector<1x128xf32>
    %add3A = vector.broadcast %get3A_8 : vector<1x128xf32> to vector<8000x128xf32>
    %add3A_9 = arith.addf %dot_general3A_5, %add3A : vector<8000x128xf32>
    %swap3A = arith.constant 0 : index
    %swap3A_10 = arith.constant 0 : index
    %swap3A_11 = vector.load %arg4[%swap3A, %swap3A_10] : memref<8000x128xf32, #tpu.memory_space<vmem>>, vector<8000x128xf32>
    tpu.vector_store %arg4[%swap3A, %swap3A_10], %add3A_9 {strides = array<i32>} : memref<8000x128xf32, #tpu.memory_space<vmem>>, vector<8000x128xf32>,
    return
  }
  func.func @transform_0(%arg0: i32) -> (i32, i32) {
    %c0_i32 = arith.constant 0 : i32
    %c0_i32_0 = arith.constant 0 : i32
    return %arg0, %c0_i32 : i32, i32
  }
  func.func @transform_1(%arg0: i32) -> (i32, i32) {
    %c0_i32 = arith.constant 0 : i32
    %c0_i32_0 = arith.constant 0 : i32
    %c0_i32_1 = arith.constant 0 : i32
    return %c0_i32, %c0_i32_0 : i32, i32
  }
  func.func @transform_2(%arg0: i32) -> (i32, i32) {
    %c0_i32 = arith.constant 0 : i32
    %c0_i32_0 = arith.constant 0 : i32
    %c0_i32_1 = arith.constant 0 : i32
    return %c0_i32, %c0_i32_0 : i32, i32
  }
  func.func @transform_3(%arg0: i32) -> (i32, i32) {
    %c0_i32 = arith.constant 0 : i32
    %c0_i32_0 = arith.constant 0 : i32
    return %arg0, %c0_i32 : i32, i32
  }
}

module attributes {stable_mosaic.version = 14 : i64} {
  func.func @_final_body(%arg0: memref<10000x128xf32, #tpu.memory_space<vmem>>, %arg1: memref<2x10000x128xf32, #tpu.memory_space<vmem>>, %arg2: memref<128x128xf32, #tpu.memory_space<vmem>>, %arg3: memref<128x128xf32, #tpu.memory_space<vmem>>, %arg4: memref<1x128xf32, #tpu.memory_space<vmem>>, %arg5: memref<1x128xf32, #tpu.memory_space<vmem>>, %arg6: memref<10000x128xf32, #tpu.memory_space<vmem>>) attributes {dimension_semantics = [], scalar_prefetch = 0 : i64, scratch_operands = 0 : i64, tpu.core_type = #tpu.core_type<tc>} {
    %get3A = arith.constant 0 : index
    %get3A_0 = arith.constant 0 : index
    %get3A_1 = vector.load %arg0[%get3A, %get3A_0] : memref<10000x128xf32, #tpu.memory_space<vmem>>, vector<10000x128xf32>
    %get3A_2 = arith.constant 0 : index
    %get3A_3 = arith.constant 0 : index
    %get3A_4 = arith.constant 0 : index
    %get3A_5 = vector.load %arg1[%get3A_2, %get3A_3, %get3A_4] : memref<2x10000x128xf32, #tpu.memory_space<vmem>>, vector<1x10000x128xf32>
    %get3A_6 = vector.shape_cast %get3A_5 : vector<1x10000x128xf32> to vector<10000x128xf32>
    %add3A = arith.addf %get3A_1, %get3A_6 : vector<10000x128xf32>
    %get3A_7 = arith.constant 1 : index
    %get3A_8 = arith.constant 0 : index
    %get3A_9 = arith.constant 0 : index
    %get3A_10 = vector.load %arg1[%get3A_7, %get3A_8, %get3A_9] : memref<2x10000x128xf32, #tpu.memory_space<vmem>>, vector<1x10000x128xf32>
    %get3A_11 = vector.shape_cast %get3A_10 : vector<1x10000x128xf32> to vector<10000x128xf32>
    %add3A_12 = arith.addf %add3A, %get3A_11 : vector<10000x128xf32>
    %get3A_13 = arith.constant 0 : index
    %get3A_14 = arith.constant 0 : index
    %get3A_15 = vector.load %arg2[%get3A_13, %get3A_14] : memref<128x128xf32, #tpu.memory_space<vmem>>, vector<128x128xf32>
    %dot_general3A = arith.constant dense<0.000000e+00> : vector<10000x128xf32>
    %dot_general3A_16 = tpu.matmul %add3A_12, %get3A_15, %dot_general3A {dimension_numbers = #tpu.dot_dimension_numbers<[1], [0], [0], [1], [0, 0, 1, 1], [], []>, transpose_lhs_hint = false} : vector<10000x128xf32>, vector<128x128xf32>, vector<10000x128xf32> -> vector<10000x128xf32>
    %reduce_sum3A = arith.constant dense<0.000000e+00> : vector<128xf32>
    %reduce_sum3A_17 = vector.multi_reduction <add>, %dot_general3A_16, %reduce_sum3A [0] : vector<10000x128xf32> to vector<128xf32>
    %broadcast_in_dim3A = vector.shape_cast %reduce_sum3A_17 : vector<128xf32> to vector<1x128xf32>
    %div3A = arith.constant 1.000000e+04 : f32
    %div3A_18 = vector.broadcast %div3A : f32 to vector<1x128xf32>
    %div3A_19 = arith.divf %broadcast_in_dim3A, %div3A_18 : vector<1x128xf32>
    %sub3A = vector.broadcast %div3A_19 : vector<1x128xf32> to vector<10000x128xf32>
    %sub3A_20 = arith.subf %dot_general3A_16, %sub3A : vector<10000x128xf32>
    %integer_pow3A = arith.mulf %sub3A_20, %sub3A_20 : vector<10000x128xf32>
    %reduce_sum3A_21 = arith.constant dense<0.000000e+00> : vector<128xf32>
    %reduce_sum3A_22 = vector.multi_reduction <add>, %integer_pow3A, %reduce_sum3A_21 [0] : vector<10000x128xf32> to vector<128xf32>
    %broadcast_in_dim3A_23 = vector.shape_cast %reduce_sum3A_22 : vector<128xf32> to vector<1x128xf32>
    %div3A_24 = arith.constant 1.000000e+04 : f32
    %div3A_25 = vector.broadcast %div3A_24 : f32 to vector<1x128xf32>
    %div3A_26 = arith.divf %broadcast_in_dim3A_23, %div3A_25 : vector<1x128xf32>
    %sub3A_27 = vector.broadcast %div3A_19 : vector<1x128xf32> to vector<10000x128xf32>
    %sub3A_28 = arith.subf %dot_general3A_16, %sub3A_27 : vector<10000x128xf32>
    %add3A_29 = arith.constant 9.99999974E-6 : f32
    %add3A_30 = vector.broadcast %add3A_29 : f32 to vector<1x128xf32>
    %add3A_31 = arith.addf %div3A_26, %add3A_30 : vector<1x128xf32>
    %rsqrt3A = math.rsqrt %add3A_31 : vector<1x128xf32>
    %mul3A = vector.broadcast %rsqrt3A : vector<1x128xf32> to vector<10000x128xf32>
    %mul3A_32 = arith.mulf %sub3A_28, %mul3A : vector<10000x128xf32>
    %get3A_33 = arith.constant 0 : index
    %get3A_34 = arith.constant 0 : index
    %get3A_35 = vector.load %arg4[%get3A_33, %get3A_34] : memref<1x128xf32, #tpu.memory_space<vmem>>, vector<1x128xf32>
    %mul3A_36 = vector.broadcast %get3A_35 : vector<1x128xf32> to vector<10000x128xf32>
    %mul3A_37 = arith.mulf %mul3A_32, %mul3A_36 : vector<10000x128xf32>
    %get3A_38 = arith.constant 0 : index
    %get3A_39 = arith.constant 0 : index
    %get3A_40 = vector.load %arg5[%get3A_38, %get3A_39] : memref<1x128xf32, #tpu.memory_space<vmem>>, vector<1x128xf32>
    %add3A_41 = vector.broadcast %get3A_40 : vector<1x128xf32> to vector<10000x128xf32>
    %add3A_42 = arith.addf %mul3A_37, %add3A_41 : vector<10000x128xf32>
    %max3A = arith.constant 0.000000e+00 : f32
    %max3A_43 = vector.broadcast %max3A : f32 to vector<10000x128xf32>
    %max3A_44 = arith.maximumf %add3A_42, %max3A_43 : vector<10000x128xf32>
    %get3A_45 = arith.constant 0 : index
    %get3A_46 = arith.constant 0 : index
    %get3A_47 = vector.load %arg3[%get3A_45, %get3A_46] : memref<128x128xf32, #tpu.memory_space<vmem>>, vector<128x128xf32>
    %dot_general3A_48 = arith.constant dense<0.000000e+00> : vector<10000x128xf32>
    %dot_general3A_49 = tpu.matmul %max3A_44, %get3A_47, %dot_general3A_48 {dimension_numbers = #tpu.dot_dimension_numbers<[1], [0], [0], [1], [0, 0, 1, 1], [], []>, transpose_lhs_hint = false} : vector<10000x128xf32>, vector<128x128xf32>, vector<10000x128xf32> -> vector<10000x128xf32>
    %swap3A = arith.constant 0 : index
    %swap3A_50 = arith.constant 0 : index
    %swap3A_51 = vector.load %arg6[%swap3A, %swap3A_50] : memref<10000x128xf32, #tpu.memory_space<vmem>>, vector<10000x128xf32>
    tpu.vector_store %arg6[%swap3A, %swap3A_50], %dot_general3A_49 {strides = array<i32>} : memref<10000x128xf32, #tpu.memory_space<vmem>>, vector<10000x128xf32>,
    return
  }
}

</mosaic_0001>

<sc_bundles>
// kernel: kernel.6.cloned.1.call-start
scs
__scs_entry_jumppad:
0x0: {  	(pc) =	sbr.rel $0x88, $3  }
0x1: {  	(tag) =	ssettag $0x0;
	lr =	simm.s32 $0x1  }
0x2: {  	[smem:$0x3F98] =	sst lr;
	_ =	strace $0xD0000000  }
0x3: {  	_ = 	snop  }
0x4: {  	_ = 	snop  }
0x5: {  	_ = 	snop  }
0x6: {  	_ = 	snop  }
0x7: {  	_ = 	snop  }
__scs_overlays_trampoline_lowered:
0x8: {  	[smem:$0x3FA7] =	sst s0  }
0x9: {  	[smem:$0x3FA8] =	sst s1  }
0xa: {  	[smem:$0x3FA9] =	sst s2  }
0xb: {  	[smem:$0x3FAA] =	sst s3  }
0xc: {  	[smem:$0x3FAB] =	sst s4  }
0xd: {  	[smem:$0x3FAC] =	sst s5  }
0xe: {  	[smem:$0x3FAD] =	sst s6  }
0xf: {  	[smem:$0x3FAE] =	sst s7  }
0x10: {  	[smem:$0x3FAF] =	sst s8  }
0x11: {  	[smem:$0x3FB0] =	sst s9;
	s0 =	simm.s32 @!p0 $0x0  }
0x12: {  	s1 =	sld [smem:$0x3F96];
	s0 =	simm.s32 @p0 $0x1  }
0x13: {  	[smem:$0x3FB1] =	sst s0;
	s0 =	simm.s32 @!p1 $0x0  }
0x14: {  	s2 =	sld [smem:$0x3F95];
	s0 =	simm.s32 @p1 $0x1  }
0x15: {  	[smem:$0x3FB2] =	sst s0;
	s0 =	simm.s32 @!p2 $0x0  }
0x16: {  	s3 =	sld [smem:$0x3FDB];
	s0 =	simm.s32 @p2 $0x1  }
0x17: {  	s4 =	simm.s32 $0x1BF5;
	[smem:$0x3FB4] =	sst s0  }
0x18: {  	s0 =	sld [smem:$0x3F97];
	_ =	swait.ge [sflag:s4], $0x0  }
0x19: {  	s7 =	sld [smem:$0x3F98]  }
0x1a: {  	s8 =	sadd.s32 $0xFFFFE003, lr  }
0x1b: {  	s9 =	sadd.s32 $0xFFFFFEF7, lr;
	s5 =	simm.s32 $0xFFFFFFFF;
	p2 =	slt.u32 s8, $0xFFFFF086  }
0x1c: {  	p1 =	slt.u32 s9, $0xF7A;
	s5 =	simm.s32 @!p2 $0x0  }
0x1d: {  	s5 =	simm.s32 @p1 $0x1;
	p0 =	seq.s32 s7, s2  }
0x1e: {  	s7 =	smul.u32 @!p0 $0xF7A, s2;
	p2 =	seq.s32 @!p0 s5, $0x0  }
0x1f: {  	s9 =	smul.u32 $0xF7A, s1;
	s8 =	simm.s32 @!p0 $0x1BF5;
	p2 =	por !p2, p0  }
0x20: {  	[sflag:s8] =	ssyncset.s32 @!p0 $0xFFFFF086;
	s6 =	sadd.s32 @!p0 s3, s7;
	s7 =	simm.s32 @!p0 $0x108  }
0x21: {  	s3 =	sadd.s32 s3, s9;
	s6 =	sadd.s32 @!p0 $0x88, s6;
	s7 =	simm.s32 @p2 $0x1082  }
0x22: {  	[simem:s7], [sflag:s8] =	dma.local @!p0 [hbm:s6], $0xF7A  }
0x23: {  	s9 =	sor.u32 $0xD0000000, s2;
	s6 =	simm.s32 $0x108;
	_ =	swait.ge @!p0 [sflag:s8], $0x0  }
0x24: {  	s3 =	sadd.s32 $0x88, s3;
	s6 =	simm.s32 @!p1 $0x1082;
	[sflag:s4] =	ssyncset.s32 $0xFFFFF086  }
0x25: {  	[simem:s6], [sflag:s4] =	dma.local [hbm:s3], $0xF7A  }
0x26: {  	[smem:$0x3F98] =	sst s1;
	(tag) =	ssettag s2;
	_ =	strace s9  }
0x27: {  	s1 =	sld [smem:$0x3FA8]  }
0x28: {  	s2 =	sld [smem:$0x3FA9]  }
0x29: {  	s4 =	sld [smem:$0x3FAB]  }
0x2a: {  	p0 =	seq.s32 s5, $0x0;
	s5 =	sld [smem:$0x3FAC]  }
0x2b: {  	s6 =	sld [smem:$0x3FAD]  }
0x2c: {  	s7 =	sld [smem:$0x3FAE]  }
0x2d: {  	s3 =	simm.s32 $0x108;
	s8 =	sld [smem:$0x3FAF]  }
0x2e: {  	s3 =	simm.s32 @!p0 $0x1082;
	s9 =	sld [smem:$0x3FB0]  }
0x2f: {  	lr =	sadd.s32 s0, s3;
	s0 =	sld [smem:$0x3FA7]  }
0x30: {  	s3 =	sld [smem:$0x3FAA]  }
0x31: {  	[smem:$0x3FB3] =	sst s10  }
0x32: {  	s10 =	sld [smem:$0x3FB1];
	_ =	sdelay $0x3  }
0x33: {  	p0 =	seq.s32 s10, $0x1;
	s10 =	sld [smem:$0x3FB3];
	_ =	sdelay $0x3  }
0x34: {  	[smem:$0x3FB3] =	sst s10  }
0x35: {  	s10 =	sld [smem:$0x3FB2];
	_ =	sdelay $0x3  }
0x36: {  	p1 =	seq.s32 s10, $0x1;
	s10 =	sld [smem:$0x3FB3];
	_ =	sdelay $0x3  }
0x37: {  	[smem:$0x3FB3] =	sst s10  }
0x38: {  	s10 =	sld [smem:$0x3FB4]  }
0x39: {  	_ = 	snop;
	(pc) =	sbr.ind lr, $3  }
0x3a: {  	_ = 	snop  }
0x3b: {  	_ = 	snop  }
0x3c: {  	p2 =	seq.s32 s10, $0x1;
	s10 =	sld [smem:$0x3FB3]  }
0x3d: {  	_ =	shalt  }
0x3e: {  	_ =	shalt  }
0x3f: {  	_ =	shalt  }
0x40: {  	_ =	shalt  }
0x41: {  	_ =	shalt  }
0x42: {  	_ =	shalt  }
0x43: {  	_ =	shalt  }
0x44: {  	_ =	shalt  }
0x45: {  	_ =	shalt  }
0x46: {  	_ =	shalt  }
0x47: {  	_ =	shalt  }
0x48: {  	_ =	shalt  }
0x49: {  	_ =	shalt  }
0x4a: {  	_ =	shalt  }
0x4b: {  	_ =	shalt  }
0x4c: {  	_ =	shalt  }
0x4d: {  	_ =	shalt  }
0x4e: {  	_ =	shalt  }
0x4f: {  	_ =	shalt  }
0x50: {  	_ =	shalt  }
0x51: {  	_ =	shalt  }
0x52: {  	_ =	shalt  }
0x53: {  	_ =	shalt  }
0x54: {  	_ =	shalt  }
0x55: {  	_ =	shalt  }
0x56: {  	_ =	shalt  }
0x57: {  	_ =	shalt  }
0x58: {  	_ =	shalt  }
0x59: {  	_ =	shalt  }
0x5a: {  	_ =	shalt  }
0x5b: {  	_ =	shalt  }
0x5c: {  	_ =	shalt  }
0x5d: {  	_ =	shalt  }
0x5e: {  	_ =	shalt  }
0x5f: {  	_ =	shalt  }
0x60: {  	_ =	shalt  }
0x61: {  	_ =	shalt  }
0x62: {  	_ =	shalt  }
0x63: {  	_ =	shalt  }
0x64: {  	_ =	shalt  }
0x65: {  	_ =	shalt  }
0x66: {  	_ =	shalt  }
0x67: {  	_ =	shalt  }
0x68: {  	_ =	shalt  }
0x69: {  	_ =	shalt  }
0x6a: {  	_ =	shalt  }
0x6b: {  	_ =	shalt  }
0x6c: {  	_ =	shalt  }
0x6d: {  	_ =	shalt  }
0x6e: {  	_ =	shalt  }
0x6f: {  	_ =	shalt  }
0x70: {  	_ =	shalt  }
0x71: {  	_ =	shalt  }
0x72: {  	_ =	shalt  }
0x73: {  	_ =	shalt  }
0x74: {  	_ =	shalt  }
0x75: {  	_ =	shalt  }
0x76: {  	_ =	shalt  }
0x77: {  	_ =	shalt  }
0x78: {  	_ =	shalt  }
0x79: {  	_ =	shalt  }
0x7a: {  	_ =	shalt  }
0x7b: {  	_ =	shalt  }
0x7c: {  	_ =	shalt  }
0x7d: {  	_ =	shalt  }
0x7e: {  	_ =	shalt  }
0x7f: {  	_ =	shalt  }
0x80: {  	_ =	shalt  }
0x81: {  	_ =	shalt  }
0x82: {  	_ =	shalt  }
0x83: {  	_ =	shalt  }
0x84: {  	_ =	shalt  }
0x85: {  	_ =	shalt  }
0x86: {  	_ =	shalt  }
0x87: {  	_ =	shalt  }
.Lfunc_end0:
.L_simem_size_0:
called_computation_lowered:
.L_overlay_start_0:
0x88: {  	s2 =	sld [smem:$0x3FD9]  }
0x89: {  	s3 =	sld [smem:$0x3FFE];
	_ =	sdelay $0x1  }
0x8a: {  	s1 =	srdreg.scid  }
0x8b: {  	s0 =	sand.u32 $0x1, s1  }
0x8c: {  	s17 =	sshll.u32 s0, $0xA;
	s2 =	sadd.s32 s3, s2  }
0x8d: {  	s2 =	sadd.s32 s2, s17  }
0x8e: {  	[smem:$0x3FBF] =	sst s2  }
0x8f: {  	_ = 	snop  }
0x90: {  	s2 =	sld [smem:$0x3FD0];
	(tm) =	ssettm $0x1  }
0x91: {  	s18 =	sld [smem:$0x3FFB];
	_ =	sdelay $0x3  }
0x92: {  	_ =	strace s18  }
0x93: {  	s3 =	sld [smem:$0x3FFC];
	_ =	sdelay $0x3  }
0x94: {  	_ =	strace s3  }
0x95: {  	s3 =	sld [smem:$0x3FFD];
	_ =	sdelay $0x3  }
0x96: {  	_ =	strace s3  }
0x97: {  	_ =	strace $0x8FFFFFFF  }
0x98: {  	s19 =	sld [smem:$0x3FDB];
	_ =	sdelay $0x1  }
0x99: {  	s4 =	simm.s32 $_scs_section_size  }
0x9a: {  	s5 =	simm.s32 $_size__tile_overlayer_lowered;
	s6 =	simm.s32 $_tile_overlayer_lowered  }
0x9b: {  	s22 =	simm.s32 $0x1BFF;
	s21 =	sshll.u32 s6, $0x1;
	s3 =	sadd.s32 s4, s19  }
0x9c: {  	s7 =	simm.s32 $0x0;
	s20 =	sshll.u32 s5, $0x1;
	s5 =	sadd.s32 s21, s3  }
0x9d: {  	[timem:s7], [sflag:s22] =	dma.local [hbm:s5], s20  }
0x9e: {  	_ =	swait.ge [sflag:s22], s20  }
0x9f: {  	s4 =	ssub.s32 $0x0, s20;
	[sflag:s22] =	ssyncset.done $0x0  }
0xa0: {  	[sflag:s22] =	ssyncadd.s32 s4;
	_ =	sdelay $0x1  }
0xa1: {  	s23 =	simm.s32 $0x1B8B  }
0xa2: {  	_ =	swait.ge [sflag:s23], $0x1  }
0xa3: {  	[sflag:s23] =	ssyncset.done $0x0  }
0xa4: {  	s25 =	simm.s32 $0x1B8E;
	s24 =	sld [smem:$0x3FFE];
	[sflag:s23] =	ssyncadd.s32 $0xFFFFFFFF  }
0xa5: {  	s26 =	simm.s32 $execute0_lowered;
	[smem:$0x3FD2] =	sst s25  }
0xa6: {  	s5 =	sshll.u32 s26, $0x1;
	_ =	strace $0x80000046;
	[dreg:$0x1] =	wrdreg $0xFFFFFFFF  }
0xa7: {  	s28 =	simm.s32 $_size_execute0_lowered;
	s3 =	sadd.s32 s3, s5;
	[dreg:$0x0] =	wrdreg $0x0  }
0xa8: {  	s5 =	sshll.u32 s28, $0x1;
	[dreg:$0x2] =	wrdreg s3  }
0xa9: {  	[dreg:$0x3] =	wrdreg s5  }
0xaa: {  	[dreg:$0x4] =	wrdreg $0xC0  }
0xab: {  	_ =	task [dreg:s7], $0x5FFFF  }
0xac: {  	[dreg:$0x1] =	wrdreg $0xFFFFFFFF  }
0xad: {  	[dreg:$0x0] =	wrdreg $0x60  }
0xae: {  	[dreg:$0x2] =	wrdreg s24  }
0xaf: {  	[dreg:$0x3] =	wrdreg s2  }
0xb0: {  	[dreg:$0x4] =	wrdreg $0xC7000  }
0xb1: {  	[dreg:$0x5] =	wrdreg $0x9  }
0xb2: {  	_ =	task.clear_ibuf [dreg:s7], $0x6FFFF;
	_ =	strace $0x90000046  }
0xb3: {  	s29 =	simm.s32 $0x9;
	_ =	strace $0x80000048  }
0xb4: {  	_ =	swait.ge [sflag:s29], $0x1  }
0xb5: {  	[sflag:s29] =	ssyncadd.s32 $0xFFFFFFFF  }
0xb6: {  	_ =	strace $0x90000048  }
0xb7: {  	_ =	sfence  }
0xb8: {  	s30 =	sld [smem:$0x0];
	_ =	sdelay $0x2  }
0xb9: {  	s31 =	sshll.u32 s1, $0xD;
	s1 =	sshrl.u32 s1, $0x2  }
0xba: {  	s3 =	sand.u32 $0x4000, s31;
	s1 =	sadd.s32 s1, s30  }
0xbb: {  	s0 =	sor.u32 s3, s0;
	s1 =	sshll.u32 s1, $0x11  }
0xbc: {  	s0 =	sor.u32 s1, s0  }
0xbd: {  	s0 =	sadd.s32 $0x8F2B, s0  }
0xbe: {  	[sflag:s0] =	ssyncadd.remote.s32 $0x1  }
0xbf: {  	_ =	sfence.sel $0xFFFF  }
0xc0: {  	[dreg:$0x0] =	wrdreg $0xFFFFFFFF;
	(pc) =	sbr.abs _section_cstart, $3  }
0xc1: {  	[dreg:$0x1] =	wrdreg $0xFFFFFFFF  }
0xc2: {  	_ =	task.clear_ibuf [dreg:s7], $0x2FFFF;
	_ =	strace $0x9FFFFFFF  }
0xc3: {  	(tm) =	ssettm $0x7FFFFFFF  }
tec
execute0_lowered:
.L_overlay_start_1:
0x0: {  	(tag) =	ssettag $0x1  }
0x1: {  	s0 =	rddreg [dreg:$0x0];
	s2 =	srdreg.scid  }
0x2: {  	s6 =	stileid.u32;
	s1 =	rddreg [dreg:$0x1];
	s28 =	simm.s32 $0x9F00  }
0x3: {  	s29 =	simm.s32 $0x2;
	s30 =	simm.s32 $0x4;
	s31 =	simm.s32 $0xB300  }
0x4: {  	s16 =	simm.s32 $0x6;
	s7 =	sand.u32 $0x1, s2;
	s9 =	smul.u32 $0x13800, s6  }
0x5: {  	s3 =	sshll.u32 s6, $0x1;
	s2 =	rddreg [dreg:$0x2];
	s14 =	smul.u32 $0x4E000, s6  }
0x6: {  	s15 =	sadd.s32 $0x3C200, s0;
	p0 =	sne.s32 s6, $0x0;
	s8 =	sor.u32 s7, s3  }
0x7: {  	s3 =	simm.s32 $0x0;
	s11 =	ssub.s32 $0x2, s7;
	s7 =	smul.u32 $0x138800, s7  }
0x8: {  	s26 =	sshll.u32 s6, $0x6;
	s4 =	smul.u32 $0x2710, s8;
	[smem:$0x7FF] =	sst s3  }
0x9: {  	s12 =	sshrl.u32 s9, $0x3;
	s13 =	sshrl.u32 s11, $0x1;
	s19 =	smul.u32 $0x27100, s8  }
0xa: {  	s18 =	sshrl.u32 s14, $0x2;
	s8 =	smul.u32 $0x138800, s8;
	_ =	strace $0x80000047  }
0xb: {  	s12 =	sadd.s32 s12, s0;
	s11 =	ssub.s32 s11, s13;
	s20 =	sadd.s32 s18, s2  }
0xc: {  	s23 =	sadd.s32 s9, s7;
	s7 =	sshrl.u32 s7, $0x3;
	s5 =	sshrl.u32 s4, $0x3  }
0xd: {  	s12 =	sadd.s32 $0x15000, s12;
	s22 =	sshrl.u32 s8, $0x3;
	s24 =	sshrl.u32 s23, $0x3  }
0xe: {  	s7 =	sadd.s32 s15, s7;
	s14 =	smax.u32 s11, $0x1;
	s18 =	sshrl.u32 s20, $0x3  }
0xf: {  	s20 =	simm.s32 $0x28;
	s23 =	simm.s32 $0x6300;
	s10 =	sadd.s32 s5, s0  }
0x10: {  	s5 =	sadd.s32 $0x4F7000, s0;
	[dreg:$0x6] =	wrdreg s12;
	s0 =	sadd.s32 $0x3C000, s0  }
0x11: {  	s12 =	sadd.s32 $0x138000, s2;
	s25 =	sadd.s32 $0x27000, s7;
	[dreg:$0x7] =	wrdreg s0  }
0x12: {  	s17 =	sadd.s32 $0xB200, s10;
	s10 =	sadd.s32 $0x1400, s10;
	[dreg:$0xb] =	wrdreg s25  }
0x13: {  	s21 =	sadd.s32 s5, s19;
	s0 =	sadd.s32 s5, s22;
	[dreg:$0x4] =	wrdreg s17  }
.Ltmp0:
0x14: {  	s19 =	sshrl.u32 @!p0 s12, $0x3;
	[dreg:$0x5] =	wrdreg s10;
	(pc) =	sbr.rel .LBB2_1-.Ltmp0, $4  }
0x15: {  	s25 =	simm.s32 $0x1;
	[dreg:$0x8] =	wrdreg s21;
	s0 =	sadd.s32 $0x280, s0  }
0x16: {  	s17 =	sor.u32 $0x1C07, s26;
	s26 =	simm.s32 $0x3;
	s21 =	simm.s32 $0x0  }
0x17: {  	[dreg:$0x9] =	wrdreg s0;
	s0 =	sadd.s32 s15, s24;
	s15 =	simm.s32 $0x7  }
0x18: {  	s24 =	simm.s32 $0x8B00;
	[dreg:$0xa] =	wrdreg s0;
	s0 =	simm.s32 $0x5  }
.LBB2_8:
0x19: {  	_ =	swait.ge [sflag:s0], $0x1400  }
0x1a: {  	[sflag:s0] =	ssyncset.done $0x0  }
0x1b: {  	[sflag:s0] =	ssyncadd.s32 $0xFFFFEC00  }
0x1c: {  	_ =	swait.ge [sflag:s16], $0x1400  }
0x1d: {  	[sflag:s16] =	ssyncset.done $0x0  }
0x1e: {  	[sflag:s16] =	ssyncadd.s32 $0xFFFFEC00  }
0x1f: {  	[bflag:$0x0] =	sbarrier.arrive $0xFFFF  }
0x20: {  	s6 =	rddreg [dreg:$0xa]  }
0x21: {  	[hbm:s6], [sflag:s17] =	dma.local [spmem:s18], $0x2700  }
0x22: {  	_ =	swait.ge [sflag:s15], $0x2700  }
0x23: {  	s21 =	sadd.s32 $0x1, s21;
	[sflag:s15] =	ssyncset.done $0x0  }
0x24: {  	p1 =	sne.s32 s21, s14;
	s6 =	rddreg [dreg:$0xb];
	[sflag:s15] =	ssyncadd.s32 $0xFFFFD900  }
0x25: {  	[hbm:s6], [sflag:s17] =	dma.local @!p0 [spmem:s19], $0x100  }
.Ltmp1:
0x26: {  	_ = 	snop;
	(pc) =	sbr.rel @!p1 .LBB2_9-.Ltmp1, $4  }
0x27: {  	s6 =	simm.s32 @!p0 $0x7  }
0x28: {  	_ =	swait.ge @!p0 [sflag:s6], $0x100  }
0x29: {  	[sflag:s6] =	ssyncset.done @!p0 $0x0  }
0x2a: {  	[sflag:s6] =	ssyncadd.s32 @!p0 $0xFFFFFF00  }
.LBB2_1:
0x2b: {  	s6 =	rddreg [dreg:$0x4]  }
0x2c: {  	[tilespmem:s3], [sflag:$0x7] =	stream.linear.gather [hbm4b:s6+s3], $0x2710, $0x38;
	[tilespmem:$0x1FF80] =	vst v63  }
0x2d: {  	_ =	swait.ge [sflag:s15], $0x2710  }
0x2e: {  	[sflag:s15] =	ssyncset.done $0x0  }
0x2f: {  	s7 =	simm.s32 $0x2780;
	s9 =	rddreg [dreg:$0x5];
	[sflag:s15] =	ssyncadd.s32 $0xFFFFD8F0  }
0x30: {  	[tilespmem:s7], [sflag:$0x7] =	stream.linear.gather [hbm4b:s9+s3], $0x2710, $0x38;
	[tilespmem:$0x1FF80] =	vst v63  }
0x31: {  	_ =	swait.ge [sflag:s15], $0x2710  }
0x32: {  	[sflag:s15] =	ssyncset.done $0x0  }
0x33: {  	s10 =	rddreg [dreg:$0x6];
	[sflag:s15] =	ssyncadd.s32 $0xFFFFD8F0  }
0x34: {  	[spmem:s18], [sflag:s17] =	dma.local [hbm:s10], $0x2700  }
0x35: {  	_ =	swait.ge [sflag:s15], $0x2700  }
0x36: {  	[sflag:s15] =	ssyncset.done $0x0  }
0x37: {  	s6 =	rddreg [dreg:$0x7];
	[sflag:s15] =	ssyncadd.s32 $0xFFFFD900  }
0x38: {  	[spmem:s19], [sflag:s17] =	dma.local @!p0 [hbm:s6], $0x100  }
0x39: {  	s6 =	simm.s32 @!p0 $0x7  }
0x3a: {  	_ =	swait.ge @!p0 [sflag:s6], $0x100  }
0x3b: {  	[sflag:s6] =	ssyncset.done @!p0 $0x0  }
0x3c: {  	[sflag:s6] =	ssyncadd.s32 @!p0 $0xFFFFFF00  }
0x3d: {  	s11 =	simm.s32 $0x4F00;
	[bflag:$0x0] =	sbarrier.arrive $0xFFFF  }
0x3e: {  	[tilespmem:s11], [sflag:$0x1] =	stream.indirect.gather [hbm4b:s1+s20], $0x80, s3, s20, $0xb8;
	[tilespmem:$0x1FF80] =	vst v63  }
0x3f: {  	s13 =	simm.s32 $0x7700;
	s12 =	rddreg [dreg:$0x8]  }
0x40: {  	[tilespmem:s13], [sflag:$0x3] =	stream.linear.gather [hbm4b:s12+s3], $0x1400, $0x38;
	[tilespmem:$0x1FF80] =	vst v63  }
0x41: {  	_ = 	snop  }
0x42: {  	[tilespmem:s23], [sflag:$0x2] =	stream.indirect.gather [hbm4b:s1+s20], $0x80, s20, s20, $0xb8;
	[tilespmem:$0x1FF80] =	vst v63  }
0x43: {  	s22 =	rddreg [dreg:$0x9]  }
0x44: {  	[tilespmem:s24], [sflag:$0x4] =	stream.linear.gather [hbm4b:s22+s3], $0x1400, $0x38;
	[tilespmem:$0x1FF80] =	vst v63  }
0x45: {  	s22 =	simm.s32 $0x0  }
.LBB2_2:
0x46: {  	p1 =	seq.s32 s22, $0x0  }
0x47: {  	s6 =	simm.s32 @!p1 $0x5  }
0x48: {  	_ =	swait.ge @!p1 [sflag:s6], $0x1400  }
0x49: {  	[sflag:s6] =	ssyncset.done @!p1 $0x0  }
0x4a: {  	[sflag:s6] =	ssyncadd.s32 @!p1 $0xFFFFEC00  }
0x4b: {  	_ =	swait.ge [sflag:s25], $0x1400  }
0x4c: {  	[sflag:s25] =	ssyncset.done $0x0  }
0x4d: {  	[sflag:s25] =	ssyncadd.s32 $0xFFFFEC00  }
0x4e: {  	_ =	swait.ge [sflag:s26], $0x1400  }
0x4f: {  	[sflag:s26] =	ssyncset.done $0x0  }
0x50: {  	s6 =	simm.s32 $0x4F80;
	[sflag:s26] =	ssyncadd.s32 $0xFFFFEC00  }
0x51: {  	s7 =	simm.s32 $0x7780;
	v0 =	vld [tilespmem:s6+$0xFFFFFF80]  }
0x52: {  	v1 =	vld [tilespmem:s7+$0xFFFFFF80];
	_ =	sdelay $0x4  }
0x53: {  	v0 =	vadd.f32 v1, v0;
	_ =	sdelay $0x1  }
0x54: {  	s8 =	simm.s32 $0x9F80;
	v0 =	vmax.f32 v0, $0.0e+00  }
0x55: {  	[tilespmem:s8+$0xFFFFFF80] =	vst v0  }
0x56: {  	v0 =	vld [tilespmem:s6+$0xFFFFFF90]  }
0x57: {  	v1 =	vld [tilespmem:s7+$0xFFFFFF90];
	_ =	sdelay $0x4  }
0x58: {  	v0 =	vadd.f32 v1, v0;
	_ =	sdelay $0x1  }
0x59: {  	v0 =	vmax.f32 v0, $0.0e+00  }
0x5a: {  	[tilespmem:s8+$0xFFFFFF90] =	vst v0  }
0x5b: {  	v0 =	vld [tilespmem:s6+$0xFFFFFFA0]  }
0x5c: {  	v1 =	vld [tilespmem:s7+$0xFFFFFFA0];
	_ =	sdelay $0x4  }
0x5d: {  	v0 =	vadd.f32 v1, v0;
	_ =	sdelay $0x1  }
0x5e: {  	v0 =	vmax.f32 v0, $0.0e+00  }
0x5f: {  	[tilespmem:s8+$0xFFFFFFA0] =	vst v0  }
0x60: {  	v0 =	vld [tilespmem:s6+$0xFFFFFFB0]  }
0x61: {  	v1 =	vld [tilespmem:s7+$0xFFFFFFB0];
	_ =	sdelay $0x4  }
0x62: {  	v0 =	vadd.f32 v1, v0;
	_ =	sdelay $0x1  }
0x63: {  	v0 =	vmax.f32 v0, $0.0e+00  }
0x64: {  	[tilespmem:s8+$0xFFFFFFB0] =	vst v0  }
0x65: {  	v0 =	vld [tilespmem:s6+$0xFFFFFFC0]  }
0x66: {  	v1 =	vld [tilespmem:s7+$0xFFFFFFC0];
	_ =	sdelay $0x4  }
0x67: {  	v0 =	vadd.f32 v1, v0;
	_ =	sdelay $0x1  }
0x68: {  	v0 =	vmax.f32 v0, $0.0e+00  }
0x69: {  	[tilespmem:s8+$0xFFFFFFC0] =	vst v0  }
0x6a: {  	v0 =	vld [tilespmem:s6+$0xFFFFFFD0]  }
0x6b: {  	v1 =	vld [tilespmem:s7+$0xFFFFFFD0];
	_ =	sdelay $0x4  }
0x6c: {  	v0 =	vadd.f32 v1, v0;
	_ =	sdelay $0x1  }
0x6d: {  	v0 =	vmax.f32 v0, $0.0e+00  }
0x6e: {  	[tilespmem:s8+$0xFFFFFFD0] =	vst v0  }
0x6f: {  	v0 =	vld [tilespmem:s6+$0xFFFFFFE0]  }
0x70: {  	v1 =	vld [tilespmem:s7+$0xFFFFFFE0];
	_ =	sdelay $0x4  }
0x71: {  	v0 =	vadd.f32 v1, v0;
	_ =	sdelay $0x1  }
0x72: {  	v0 =	vmax.f32 v0, $0.0e+00  }
0x73: {  	[tilespmem:s8+$0xFFFFFFE0] =	vst v0  }
0x74: {  	v0 =	vld [tilespmem:s6+$0xFFFFFFF0]  }
0x75: {  	v1 =	vld [tilespmem:s7+$0xFFFFFFF0];
	_ =	sdelay $0x4  }
0x76: {  	v0 =	vadd.f32 v1, v0;
	_ =	sdelay $0x1  }
0x77: {  	v0 =	vmax.f32 v0, $0.0e+00  }
0x78: {  	[tilespmem:s8+$0xFFFFFFF0] =	vst v0  }
0x79: {  	v0 =	vld [tilespmem:s6+$0x0]  }
0x7a: {  	v1 =	vld [tilespmem:s7+$0x0];
	_ =	sdelay $0x4  }
0x7b: {  	v0 =	vadd.f32 v1, v0;
	_ =	sdelay $0x1  }
0x7c: {  	v0 =	vmax.f32 v0, $0.0e+00  }
0x7d: {  	[tilespmem:s8+$0x0] =	vst v0  }
0x7e: {  	v0 =	vld [tilespmem:s6+$0x10]  }
0x7f: {  	v1 =	vld [tilespmem:s7+$0x10];
	_ =	sdelay $0x4  }
0x80: {  	v0 =	vadd.f32 v1, v0;
	_ =	sdelay $0x1  }
0x81: {  	v0 =	vmax.f32 v0, $0.0e+00  }
0x82: {  	[tilespmem:s8+$0x10] =	vst v0  }
0x83: {  	v0 =	vld [tilespmem:s6+$0x20]  }
0x84: {  	v1 =	vld [tilespmem:s7+$0x20];
	_ =	sdelay $0x4  }
0x85: {  	v0 =	vadd.f32 v1, v0;
	_ =	sdelay $0x1  }
0x86: {  	v0 =	vmax.f32 v0, $0.0e+00  }
0x87: {  	[tilespmem:s8+$0x20] =	vst v0  }
0x88: {  	v0 =	vld [tilespmem:s6+$0x30]  }
0x89: {  	v1 =	vld [tilespmem:s7+$0x30];
	_ =	sdelay $0x4  }
0x8a: {  	v0 =	vadd.f32 v1, v0;
	_ =	sdelay $0x1  }
0x8b: {  	v0 =	vmax.f32 v0, $0.0e+00  }
0x8c: {  	[tilespmem:s8+$0x30] =	vst v0  }
0x8d: {  	v0 =	vld [tilespmem:s6+$0x40]  }
0x8e: {  	v1 =	vld [tilespmem:s7+$0x40];
	_ =	sdelay $0x4  }
0x8f: {  	v0 =	vadd.f32 v1, v0;
	_ =	sdelay $0x1  }
0x90: {  	v0 =	vmax.f32 v0, $0.0e+00  }
0x91: {  	[tilespmem:s8+$0x40] =	vst v0  }
0x92: {  	v0 =	vld [tilespmem:s6+$0x50]  }
0x93: {  	v1 =	vld [tilespmem:s7+$0x50];
	_ =	sdelay $0x4  }
0x94: {  	v0 =	vadd.f32 v1, v0;
	_ =	sdelay $0x1  }
0x95: {  	v0 =	vmax.f32 v0, $0.0e+00  }
0x96: {  	[tilespmem:s8+$0x50] =	vst v0  }
0x97: {  	v0 =	vld [tilespmem:s6+$0x60]  }
0x98: {  	v1 =	vld [tilespmem:s7+$0x60]  }
0x99: {  	s10 =	simm.s32 $0x0  }
0x9a: {  	s12 =	simm.s32 $0x5080;
	s9 =	simm.s32 $0x9F80;
	s11 =	simm.s32 $0x7780  }
.LBB2_3:
0x9b: {  	s10 =	sadd.s32 $0x2, s10;
	s8 =	sadd.s32 $0x100, s8;
	s7 =	sadd.s32 $0x100, s7  }
0x9c: {  	p1 =	slt.u32 s10, $0x26  }
0x9d: {  	v0 =	vadd.f32 v1, v0;
	_ =	sdelay $0x1  }
0x9e: {  	v0 =	vmax.f32 v0, $0.0e+00  }
0x9f: {  	[tilespmem:s9+$0x60] =	vst v0  }
0xa0: {  	v0 =	vld [tilespmem:s6+$0x70];
	s6 =	smov.u32 s12  }
0xa1: {  	v1 =	vld [tilespmem:s11+$0x70];
	s11 =	smov.u32 s7;
	_ =	sdelay $0x4  }
0xa2: {  	v0 =	vadd.f32 v1, v0;
	_ =	sdelay $0x1  }
0xa3: {  	v0 =	vmax.f32 v0, $0.0e+00  }
0xa4: {  	[tilespmem:s9+$0x70] =	vst v0;
	s9 =	smov.u32 s8  }
0xa5: {  	v0 =	vld [tilespmem:s12+$0xFFFFFF80]  }
0xa6: {  	v1 =	vld [tilespmem:s7+$0xFFFFFF80];
	_ =	sdelay $0x4  }
0xa7: {  	v0 =	vadd.f32 v1, v0;
	_ =	sdelay $0x1  }
0xa8: {  	v0 =	vmax.f32 v0, $0.0e+00  }
0xa9: {  	[tilespmem:s8+$0xFFFFFF80] =	vst v0  }
0xaa: {  	v0 =	vld [tilespmem:s12+$0xFFFFFF90]  }
0xab: {  	v1 =	vld [tilespmem:s7+$0xFFFFFF90];
	_ =	sdelay $0x4  }
0xac: {  	v0 =	vadd.f32 v1, v0;
	_ =	sdelay $0x1  }
0xad: {  	v0 =	vmax.f32 v0, $0.0e+00  }
0xae: {  	[tilespmem:s8+$0xFFFFFF90] =	vst v0  }
0xaf: {  	v0 =	vld [tilespmem:s12+$0xFFFFFFA0]  }
0xb0: {  	v1 =	vld [tilespmem:s7+$0xFFFFFFA0];
	_ =	sdelay $0x4  }
0xb1: {  	v0 =	vadd.f32 v1, v0;
	_ =	sdelay $0x1  }
0xb2: {  	v0 =	vmax.f32 v0, $0.0e+00  }
0xb3: {  	[tilespmem:s8+$0xFFFFFFA0] =	vst v0  }
0xb4: {  	v0 =	vld [tilespmem:s12+$0xFFFFFFB0]  }
0xb5: {  	v1 =	vld [tilespmem:s7+$0xFFFFFFB0];
	_ =	sdelay $0x4  }
0xb6: {  	v0 =	vadd.f32 v1, v0;
	_ =	sdelay $0x1  }
0xb7: {  	v0 =	vmax.f32 v0, $0.0e+00  }
0xb8: {  	[tilespmem:s8+$0xFFFFFFB0] =	vst v0  }
0xb9: {  	v0 =	vld [tilespmem:s12+$0xFFFFFFC0]  }
0xba: {  	v1 =	vld [tilespmem:s7+$0xFFFFFFC0];
	_ =	sdelay $0x4  }
0xbb: {  	v0 =	vadd.f32 v1, v0;
	_ =	sdelay $0x1  }
0xbc: {  	v0 =	vmax.f32 v0, $0.0e+00  }
0xbd: {  	[tilespmem:s8+$0xFFFFFFC0] =	vst v0  }
0xbe: {  	v0 =	vld [tilespmem:s12+$0xFFFFFFD0]  }
0xbf: {  	v1 =	vld [tilespmem:s7+$0xFFFFFFD0];
	_ =	sdelay $0x4  }
0xc0: {  	v0 =	vadd.f32 v1, v0;
	_ =	sdelay $0x1  }
0xc1: {  	v0 =	vmax.f32 v0, $0.0e+00  }
0xc2: {  	[tilespmem:s8+$0xFFFFFFD0] =	vst v0  }
0xc3: {  	v0 =	vld [tilespmem:s12+$0xFFFFFFE0]  }
0xc4: {  	v1 =	vld [tilespmem:s7+$0xFFFFFFE0];
	_ =	sdelay $0x4  }
0xc5: {  	v0 =	vadd.f32 v1, v0;
	_ =	sdelay $0x1  }
0xc6: {  	v0 =	vmax.f32 v0, $0.0e+00  }
0xc7: {  	[tilespmem:s8+$0xFFFFFFE0] =	vst v0  }
0xc8: {  	v0 =	vld [tilespmem:s12+$0xFFFFFFF0]  }
0xc9: {  	v1 =	vld [tilespmem:s7+$0xFFFFFFF0];
	_ =	sdelay $0x4  }
0xca: {  	v0 =	vadd.f32 v1, v0;
	_ =	sdelay $0x1  }
0xcb: {  	v0 =	vmax.f32 v0, $0.0e+00  }
0xcc: {  	[tilespmem:s8+$0xFFFFFFF0] =	vst v0  }
0xcd: {  	v0 =	vld [tilespmem:s12+$0x0]  }
0xce: {  	v1 =	vld [tilespmem:s7+$0x0];
	_ =	sdelay $0x4  }
0xcf: {  	v0 =	vadd.f32 v1, v0;
	_ =	sdelay $0x1  }
0xd0: {  	v0 =	vmax.f32 v0, $0.0e+00  }
0xd1: {  	[tilespmem:s8+$0x0] =	vst v0  }
0xd2: {  	v0 =	vld [tilespmem:s12+$0x10]  }
0xd3: {  	v1 =	vld [tilespmem:s7+$0x10];
	_ =	sdelay $0x4  }
0xd4: {  	v0 =	vadd.f32 v1, v0;
	_ =	sdelay $0x1  }
0xd5: {  	v0 =	vmax.f32 v0, $0.0e+00  }
0xd6: {  	[tilespmem:s8+$0x10] =	vst v0  }
0xd7: {  	v0 =	vld [tilespmem:s12+$0x20]  }
0xd8: {  	v1 =	vld [tilespmem:s7+$0x20];
	_ =	sdelay $0x4  }
0xd9: {  	v0 =	vadd.f32 v1, v0;
	_ =	sdelay $0x1  }
0xda: {  	v0 =	vmax.f32 v0, $0.0e+00  }
0xdb: {  	[tilespmem:s8+$0x20] =	vst v0  }
0xdc: {  	v0 =	vld [tilespmem:s12+$0x30]  }
0xdd: {  	v1 =	vld [tilespmem:s7+$0x30];
	_ =	sdelay $0x4  }
0xde: {  	v0 =	vadd.f32 v1, v0;
	_ =	sdelay $0x1  }
0xdf: {  	v0 =	vmax.f32 v0, $0.0e+00  }
0xe0: {  	[tilespmem:s8+$0x30] =	vst v0  }
0xe1: {  	v0 =	vld [tilespmem:s12+$0x40]  }
0xe2: {  	v1 =	vld [tilespmem:s7+$0x40];
	_ =	sdelay $0x4  }
0xe3: {  	v0 =	vadd.f32 v1, v0;
	_ =	sdelay $0x1  }
0xe4: {  	v0 =	vmax.f32 v0, $0.0e+00  }
0xe5: {  	[tilespmem:s8+$0x40] =	vst v0  }
0xe6: {  	v0 =	vld [tilespmem:s12+$0x50]  }
0xe7: {  	v1 =	vld [tilespmem:s7+$0x50];
	_ =	sdelay $0x4  }
0xe8: {  	v0 =	vadd.f32 v1, v0;
	_ =	sdelay $0x1  }
0xe9: {  	v0 =	vmax.f32 v0, $0.0e+00  }
.Ltmp2:
0xea: {  	[tilespmem:s8+$0x50] =	vst v0;
	(pc) =	sbr.rel @p1 .LBB2_3-.Ltmp2, $3  }
0xeb: {  	v0 =	vld [tilespmem:s12+$0x60]  }
0xec: {  	v1 =	vld [tilespmem:s7+$0x60];
	_ =	sdelay $0x1  }
0xed: {  	s12 =	sadd.s32 $0x100, s12  }
0xee: {  	_ =	sdelay $0x1  }
0xef: {  	v0 =	vadd.f32 v1, v0;
	_ =	sdelay $0x1  }
0xf0: {  	v0 =	vmax.f32 v0, $0.0e+00  }
0xf1: {  	[tilespmem:s9+$0x60] =	vst v0  }
0xf2: {  	v0 =	vld [tilespmem:s6+$0x70]  }
0xf3: {  	v1 =	vld [tilespmem:s11+$0x70];
	_ =	sdelay $0x4  }
0xf4: {  	s13 =	smul.u32 $0x140, s22;
	v0 =	vadd.f32 v1, v0;
	_ =	sdelay $0x1  }
0xf5: {  	p1 =	seq.s32 s22, $0x7C;
	s6 =	sshra.s32 s13, $0x2;
	v0 =	vmax.f32 v0, $0.0e+00  }
0xf6: {  	s8 =	smul.u32 @!p1 $0x50, s22;
	s7 =	sadd.s32 $0x2780, s6;
	[tilespmem:s9+$0x70] =	vst v0  }
0xf7: {  	[spmem:s2] =	stream.indirect.scatter.add.f32 [tilespmem:s28], [sflag:$0x5], $0x80, s7, s20, $0xb8;
	[tilespmem:$0x1FF80] =	vst v63  }
0xf8: {  	s9 =	simm.s32 @!p1 $0x4F00;
	s7 =	sadd.s32 @!p1 $0x50, s8;
	s8 =	simm.s32 @!p1 $0x28  }
0xf9: {  	[tilespmem:s9], [sflag:$0x1] =	stream.indirect.gather @!p1 [hbm4b:s1+s8], $0x80, s7, s8, $0xb8;
	[tilespmem:$0x1FF80] =	vst v63  }
0xfa: {  	p2 =	seq.s32 @!p1 s22, $0x0;
	s7 =	sadd.s32 @!p1 s4, s7  }
0xfb: {  	p2 =	por p1, !p2;
	s7 =	sshll.u32 @!p1 s7, $0x4  }
0xfc: {  	s8 =	simm.s32 @!p1 $0x0;
	s9 =	simm.s32 @!p1 $0x7700;
	s7 =	sadd.s32 @!p1 s5, s7  }
0xfd: {  	[tilespmem:s9], [sflag:$0x3] =	stream.linear.gather @!p1 [hbm4b:s7+s8], $0x1400, $0x38;
	[tilespmem:$0x1FF80] =	vst v63  }
0xfe: {  	_ =	swait.ge @p2 [sflag:s16], $0x1400  }
0xff: {  	[sflag:s16] =	ssyncset.done @p2 $0x0  }
0x100: {  	[sflag:s16] =	ssyncadd.s32 @p2 $0xFFFFEC00  }
0x101: {  	_ =	swait.ge [sflag:s29], $0x1400  }
0x102: {  	[sflag:s29] =	ssyncset.done $0x0  }
0x103: {  	[sflag:s29] =	ssyncadd.s32 $0xFFFFEC00  }
0x104: {  	_ =	swait.ge [sflag:s30], $0x1400  }
0x105: {  	[sflag:s30] =	ssyncset.done $0x0  }
0x106: {  	s8 =	simm.s32 $0x63F0;
	[sflag:s30] =	ssyncadd.s32 $0xFFFFEC00  }
0x107: {  	s9 =	simm.s32 $0x8BF0;
	v0 =	vld [tilespmem:s8+$0xFFFFFF10]  }
0x108: {  	v1 =	vld [tilespmem:s9+$0xFFFFFF10];
	_ =	sdelay $0x4  }
0x109: {  	v0 =	vadd.f32 v1, v0;
	_ =	sdelay $0x1  }
0x10a: {  	s7 =	simm.s32 $0xB3F0;
	v0 =	vmax.f32 v0, $0.0e+00  }
0x10b: {  	[tilespmem:s7+$0xFFFFFF10] =	vst v0  }
0x10c: {  	v0 =	vld [tilespmem:s8+$0xFFFFFF20]  }
0x10d: {  	v1 =	vld [tilespmem:s9+$0xFFFFFF20];
	_ =	sdelay $0x4  }
0x10e: {  	v0 =	vadd.f32 v1, v0;
	_ =	sdelay $0x1  }
0x10f: {  	v0 =	vmax.f32 v0, $0.0e+00  }
0x110: {  	[tilespmem:s7+$0xFFFFFF20] =	vst v0  }
0x111: {  	v0 =	vld [tilespmem:s8+$0xFFFFFF30]  }
0x112: {  	v1 =	vld [tilespmem:s9+$0xFFFFFF30];
	_ =	sdelay $0x4  }
0x113: {  	v0 =	vadd.f32 v1, v0;
	_ =	sdelay $0x1  }
0x114: {  	v0 =	vmax.f32 v0, $0.0e+00  }
0x115: {  	[tilespmem:s7+$0xFFFFFF30] =	vst v0  }
0x116: {  	v0 =	vld [tilespmem:s8+$0xFFFFFF40]  }
0x117: {  	v1 =	vld [tilespmem:s9+$0xFFFFFF40];
	_ =	sdelay $0x4  }
0x118: {  	v0 =	vadd.f32 v1, v0;
	_ =	sdelay $0x1  }
0x119: {  	v0 =	vmax.f32 v0, $0.0e+00  }
0x11a: {  	[tilespmem:s7+$0xFFFFFF40] =	vst v0  }
0x11b: {  	v0 =	vld [tilespmem:s8+$0xFFFFFF50]  }
0x11c: {  	v1 =	vld [tilespmem:s9+$0xFFFFFF50];
	_ =	sdelay $0x4  }
0x11d: {  	v0 =	vadd.f32 v1, v0;
	_ =	sdelay $0x1  }
0x11e: {  	v0 =	vmax.f32 v0, $0.0e+00  }
0x11f: {  	[tilespmem:s7+$0xFFFFFF50] =	vst v0  }
0x120: {  	v0 =	vld [tilespmem:s8+$0xFFFFFF60]  }
0x121: {  	v1 =	vld [tilespmem:s9+$0xFFFFFF60];
	_ =	sdelay $0x4  }
0x122: {  	v0 =	vadd.f32 v1, v0;
	_ =	sdelay $0x1  }
0x123: {  	v0 =	vmax.f32 v0, $0.0e+00  }
0x124: {  	[tilespmem:s7+$0xFFFFFF60] =	vst v0  }
0x125: {  	v0 =	vld [tilespmem:s8+$0xFFFFFF70]  }
0x126: {  	v1 =	vld [tilespmem:s9+$0xFFFFFF70];
	_ =	sdelay $0x4  }
0x127: {  	v0 =	vadd.f32 v1, v0;
	_ =	sdelay $0x1  }
0x128: {  	v0 =	vmax.f32 v0, $0.0e+00  }
0x129: {  	[tilespmem:s7+$0xFFFFFF70] =	vst v0  }
0x12a: {  	v0 =	vld [tilespmem:s8+$0xFFFFFF80]  }
0x12b: {  	v1 =	vld [tilespmem:s9+$0xFFFFFF80];
	_ =	sdelay $0x4  }
0x12c: {  	v0 =	vadd.f32 v1, v0;
	_ =	sdelay $0x1  }
0x12d: {  	v0 =	vmax.f32 v0, $0.0e+00  }
0x12e: {  	[tilespmem:s7+$0xFFFFFF80] =	vst v0  }
0x12f: {  	v0 =	vld [tilespmem:s8+$0xFFFFFF90]  }
0x130: {  	v1 =	vld [tilespmem:s9+$0xFFFFFF90];
	_ =	sdelay $0x4  }
0x131: {  	v0 =	vadd.f32 v1, v0;
	_ =	sdelay $0x1  }
0x132: {  	v0 =	vmax.f32 v0, $0.0e+00  }
0x133: {  	[tilespmem:s7+$0xFFFFFF90] =	vst v0  }
0x134: {  	v0 =	vld [tilespmem:s8+$0xFFFFFFA0]  }
0x135: {  	v1 =	vld [tilespmem:s9+$0xFFFFFFA0];
	_ =	sdelay $0x4  }
0x136: {  	v0 =	vadd.f32 v1, v0;
	_ =	sdelay $0x1  }
0x137: {  	v0 =	vmax.f32 v0, $0.0e+00  }
0x138: {  	[tilespmem:s7+$0xFFFFFFA0] =	vst v0  }
0x139: {  	v0 =	vld [tilespmem:s8+$0xFFFFFFB0]  }
0x13a: {  	v1 =	vld [tilespmem:s9+$0xFFFFFFB0];
	_ =	sdelay $0x4  }
0x13b: {  	v0 =	vadd.f32 v1, v0;
	_ =	sdelay $0x1  }
0x13c: {  	v0 =	vmax.f32 v0, $0.0e+00  }
0x13d: {  	[tilespmem:s7+$0xFFFFFFB0] =	vst v0  }
0x13e: {  	v0 =	vld [tilespmem:s8+$0xFFFFFFC0]  }
0x13f: {  	v1 =	vld [tilespmem:s9+$0xFFFFFFC0];
	_ =	sdelay $0x4  }
0x140: {  	v0 =	vadd.f32 v1, v0;
	_ =	sdelay $0x1  }
0x141: {  	v0 =	vmax.f32 v0, $0.0e+00  }
0x142: {  	[tilespmem:s7+$0xFFFFFFC0] =	vst v0  }
0x143: {  	v0 =	vld [tilespmem:s8+$0xFFFFFFD0]  }
0x144: {  	v1 =	vld [tilespmem:s9+$0xFFFFFFD0];
	_ =	sdelay $0x4  }
0x145: {  	v0 =	vadd.f32 v1, v0;
	_ =	sdelay $0x1  }
0x146: {  	v0 =	vmax.f32 v0, $0.0e+00  }
0x147: {  	[tilespmem:s7+$0xFFFFFFD0] =	vst v0  }
0x148: {  	v0 =	vld [tilespmem:s8+$0xFFFFFFE0]  }
0x149: {  	v1 =	vld [tilespmem:s9+$0xFFFFFFE0];
	_ =	sdelay $0x4  }
0x14a: {  	v0 =	vadd.f32 v1, v0;
	_ =	sdelay $0x1  }
0x14b: {  	v0 =	vmax.f32 v0, $0.0e+00  }
0x14c: {  	[tilespmem:s7+$0xFFFFFFE0] =	vst v0  }
0x14d: {  	v0 =	vld [tilespmem:s8+$0xFFFFFFF0]  }
0x14e: {  	v1 =	vld [tilespmem:s9+$0xFFFFFFF0]  }
0x14f: {  	s10 =	simm.s32 $0x0  }
0x150: {  	s12 =	simm.s32 $0x8BF0;
	s13 =	simm.s32 $0xB4F0;
	s11 =	simm.s32 $0x63F0  }
.LBB2_5:
0x151: {  	s10 =	sadd.s32 $0x2, s10;
	s8 =	sadd.s32 $0x100, s8;
	s9 =	sadd.s32 $0x100, s9  }
0x152: {  	p2 =	slt.u32 s10, $0x26  }
0x153: {  	v0 =	vadd.f32 v1, v0;
	_ =	sdelay $0x1  }
0x154: {  	v0 =	vmax.f32 v0, $0.0e+00  }
0x155: {  	[tilespmem:s7+$0xFFFFFFF0] =	vst v0  }
0x156: {  	v0 =	vld [tilespmem:s11+$0x0];
	s11 =	smov.u32 s8  }
0x157: {  	v1 =	vld [tilespmem:s12+$0x0];
	s12 =	smov.u32 s9;
	_ =	sdelay $0x4  }
0x158: {  	v0 =	vadd.f32 v1, v0;
	_ =	sdelay $0x1  }
0x159: {  	v0 =	vmax.f32 v0, $0.0e+00  }
0x15a: {  	[tilespmem:s7+$0x0] =	vst v0;
	s7 =	smov.u32 s13  }
0x15b: {  	v0 =	vld [tilespmem:s8+$0xFFFFFF10]  }
0x15c: {  	v1 =	vld [tilespmem:s9+$0xFFFFFF10];
	_ =	sdelay $0x4  }
0x15d: {  	v0 =	vadd.f32 v1, v0;
	_ =	sdelay $0x1  }
0x15e: {  	v0 =	vmax.f32 v0, $0.0e+00  }
0x15f: {  	[tilespmem:s13+$0xFFFFFF10] =	vst v0  }
0x160: {  	v0 =	vld [tilespmem:s8+$0xFFFFFF20]  }
0x161: {  	v1 =	vld [tilespmem:s9+$0xFFFFFF20];
	_ =	sdelay $0x4  }
0x162: {  	v0 =	vadd.f32 v1, v0;
	_ =	sdelay $0x1  }
0x163: {  	v0 =	vmax.f32 v0, $0.0e+00  }
0x164: {  	[tilespmem:s13+$0xFFFFFF20] =	vst v0  }
0x165: {  	v0 =	vld [tilespmem:s8+$0xFFFFFF30]  }
0x166: {  	v1 =	vld [tilespmem:s9+$0xFFFFFF30];
	_ =	sdelay $0x4  }
0x167: {  	v0 =	vadd.f32 v1, v0;
	_ =	sdelay $0x1  }
0x168: {  	v0 =	vmax.f32 v0, $0.0e+00  }
0x169: {  	[tilespmem:s13+$0xFFFFFF30] =	vst v0  }
0x16a: {  	v0 =	vld [tilespmem:s8+$0xFFFFFF40]  }
0x16b: {  	v1 =	vld [tilespmem:s9+$0xFFFFFF40];
	_ =	sdelay $0x4  }
0x16c: {  	v0 =	vadd.f32 v1, v0;
	_ =	sdelay $0x1  }
0x16d: {  	v0 =	vmax.f32 v0, $0.0e+00  }
0x16e: {  	[tilespmem:s13+$0xFFFFFF40] =	vst v0  }
0x16f: {  	v0 =	vld [tilespmem:s8+$0xFFFFFF50]  }
0x170: {  	v1 =	vld [tilespmem:s9+$0xFFFFFF50];
	_ =	sdelay $0x4  }
0x171: {  	v0 =	vadd.f32 v1, v0;
	_ =	sdelay $0x1  }
0x172: {  	v0 =	vmax.f32 v0, $0.0e+00  }
0x173: {  	[tilespmem:s13+$0xFFFFFF50] =	vst v0  }
0x174: {  	v0 =	vld [tilespmem:s8+$0xFFFFFF60]  }
0x175: {  	v1 =	vld [tilespmem:s9+$0xFFFFFF60];
	_ =	sdelay $0x4  }
0x176: {  	v0 =	vadd.f32 v1, v0;
	_ =	sdelay $0x1  }
0x177: {  	v0 =	vmax.f32 v0, $0.0e+00  }
0x178: {  	[tilespmem:s13+$0xFFFFFF60] =	vst v0  }
0x179: {  	v0 =	vld [tilespmem:s8+$0xFFFFFF70]  }
0x17a: {  	v1 =	vld [tilespmem:s9+$0xFFFFFF70];
	_ =	sdelay $0x4  }
0x17b: {  	v0 =	vadd.f32 v1, v0;
	_ =	sdelay $0x1  }
0x17c: {  	v0 =	vmax.f32 v0, $0.0e+00  }
0x17d: {  	[tilespmem:s13+$0xFFFFFF70] =	vst v0  }
0x17e: {  	v0 =	vld [tilespmem:s8+$0xFFFFFF80]  }
0x17f: {  	v1 =	vld [tilespmem:s9+$0xFFFFFF80];
	_ =	sdelay $0x4  }
0x180: {  	v0 =	vadd.f32 v1, v0;
	_ =	sdelay $0x1  }
0x181: {  	v0 =	vmax.f32 v0, $0.0e+00  }
0x182: {  	[tilespmem:s13+$0xFFFFFF80] =	vst v0  }
0x183: {  	v0 =	vld [tilespmem:s8+$0xFFFFFF90]  }
0x184: {  	v1 =	vld [tilespmem:s9+$0xFFFFFF90];
	_ =	sdelay $0x4  }
0x185: {  	v0 =	vadd.f32 v1, v0;
	_ =	sdelay $0x1  }
0x186: {  	v0 =	vmax.f32 v0, $0.0e+00  }
0x187: {  	[tilespmem:s13+$0xFFFFFF90] =	vst v0  }
0x188: {  	v0 =	vld [tilespmem:s8+$0xFFFFFFA0]  }
0x189: {  	v1 =	vld [tilespmem:s9+$0xFFFFFFA0];
	_ =	sdelay $0x4  }
0x18a: {  	v0 =	vadd.f32 v1, v0;
	_ =	sdelay $0x1  }
0x18b: {  	v0 =	vmax.f32 v0, $0.0e+00  }
0x18c: {  	[tilespmem:s13+$0xFFFFFFA0] =	vst v0  }
0x18d: {  	v0 =	vld [tilespmem:s8+$0xFFFFFFB0]  }
0x18e: {  	v1 =	vld [tilespmem:s9+$0xFFFFFFB0];
	_ =	sdelay $0x4  }
0x18f: {  	v0 =	vadd.f32 v1, v0;
	_ =	sdelay $0x1  }
0x190: {  	v0 =	vmax.f32 v0, $0.0e+00  }
0x191: {  	[tilespmem:s13+$0xFFFFFFB0] =	vst v0  }
0x192: {  	v0 =	vld [tilespmem:s8+$0xFFFFFFC0]  }
0x193: {  	v1 =	vld [tilespmem:s9+$0xFFFFFFC0];
	_ =	sdelay $0x4  }
0x194: {  	v0 =	vadd.f32 v1, v0;
	_ =	sdelay $0x1  }
0x195: {  	v0 =	vmax.f32 v0, $0.0e+00  }
0x196: {  	[tilespmem:s13+$0xFFFFFFC0] =	vst v0  }
0x197: {  	v0 =	vld [tilespmem:s8+$0xFFFFFFD0]  }
0x198: {  	v1 =	vld [tilespmem:s9+$0xFFFFFFD0];
	_ =	sdelay $0x4  }
0x199: {  	v0 =	vadd.f32 v1, v0;
	_ =	sdelay $0x1  }
0x19a: {  	v0 =	vmax.f32 v0, $0.0e+00  }
0x19b: {  	[tilespmem:s13+$0xFFFFFFD0] =	vst v0  }
0x19c: {  	v0 =	vld [tilespmem:s8+$0xFFFFFFE0]  }
0x19d: {  	v1 =	vld [tilespmem:s9+$0xFFFFFFE0];
	_ =	sdelay $0x4  }
0x19e: {  	v0 =	vadd.f32 v1, v0;
	_ =	sdelay $0x1  }
0x19f: {  	v0 =	vmax.f32 v0, $0.0e+00  }
.Ltmp3:
0x1a0: {  	[tilespmem:s13+$0xFFFFFFE0] =	vst v0;
	(pc) =	sbr.rel @p2 .LBB2_5-.Ltmp3, $3  }
0x1a1: {  	v0 =	vld [tilespmem:s8+$0xFFFFFFF0]  }
0x1a2: {  	v1 =	vld [tilespmem:s9+$0xFFFFFFF0];
	_ =	sdelay $0x1  }
0x1a3: {  	s13 =	sadd.s32 $0x100, s13  }
0x1a4: {  	_ =	sdelay $0x1  }
0x1a5: {  	v0 =	vadd.f32 v1, v0;
	_ =	sdelay $0x1  }
0x1a6: {  	v0 =	vmax.f32 v0, $0.0e+00  }
0x1a7: {  	[tilespmem:s7+$0xFFFFFFF0] =	vst v0  }
0x1a8: {  	v0 =	vld [tilespmem:s11+$0x0]  }
0x1a9: {  	v63 =	vld [tilespmem:s12+$0x0];
	_ =	sdelay $0x4  }
.Ltmp4:
0x1aa: {  	v0 =	vadd.f32 v63, v0;
	(pc) =	sbr.rel @p1 .LBB2_8-.Ltmp4, $4  }
0x1ab: {  	_ = 	snop  }
0x1ac: {  	v0 =	vmax.f32 v0, $0.0e+00  }
0x1ad: {  	s6 =	sadd.s32 $0x27A8, s6;
	[tilespmem:s7+$0x0] =	vst v0  }
0x1ae: {  	[spmem:s2] =	stream.indirect.scatter.add.f32 [tilespmem:s31], [sflag:$0x6], $0x80, s6, s20, $0xb8;
	[tilespmem:$0x1FF80] =	vst v63  }
0x1af: {  	s6 =	smul.u32 $0x50, s22;
	_ =	sdelay $0x1  }
0x1b0: {  	s6 =	sadd.s32 $0x78, s6  }
0x1b1: {  	[tilespmem:s23], [sflag:$0x2] =	stream.indirect.gather [hbm4b:s1+s20], $0x80, s6, s20, $0xb8;
	[tilespmem:$0x1FF80] =	vst v63  }
.Ltmp5:
0x1b2: {  	_ = 	snop;
	(pc) =	sbr.rel .LBB2_2-.Ltmp5, $4  }
0x1b3: {  	s6 =	sadd.s32 s4, s6  }
0x1b4: {  	s6 =	sshll.u32 s6, $0x4  }
0x1b5: {  	s22 =	sadd.s32 $0x1, s22;
	s6 =	sadd.s32 s5, s6  }
0x1b6: {  	[tilespmem:s24], [sflag:$0x4] =	stream.linear.gather [hbm4b:s6+s3], $0x1400, $0x38;
	[tilespmem:$0x1FF80] =	vst v63  }
.LBB2_9:
0x1b7: {  	_ =	sfence.sel $0x180000  }
0x1b8: {  	[bflag:$0x0] =	sbarrier.arrive $0xFFFF  }
0x1b9: {  	_ =	strace $0x90000047  }
0x1ba: {  	[bflag:$0x2] =	sbarrier.arrive $0xFFFF  }
0x1bb: {  	s0 =	rddreg [dreg:$0x3]  }
0x1bc: {  	s0 =	sadd.s32 @!p0 $0x100000, s0  }
0x1bd: {  	[sflag:s0] =	ssyncadd.tile.s32 @!p0 $0x1;
	_ =	shalt  }
.Lfunc_end2:
_tile_overlayer_lowered:
.L_overlay_start_2:
0x1be: {  	(tag) =	ssettag $0x2  }
0x1bf: {  	s0 =	rddreg [dreg:$0x0];
	s2 =	stileid.u32  }
0x1c0: {  	s1 =	rddreg [dreg:$0x1];
	p0 =	sne.s32 s2, $0x0  }
0x1c1: {  	s3 =	rddreg [dreg:$0x2];
	[bflag:$0x3] =	sbarrier.arrive $0xFFFF;
	s2 =	simm.s32 @!p0 $0x1C07  }
0x1c2: {  	[timem:s3], [sflag:s2] =	dma.local @!p0 [hbm:s0], s1  }
0x1c3: {  	s0 =	simm.s32 @!p0 $0x7  }
0x1c4: {  	_ =	swait.ge @!p0 [sflag:s0], s1  }
0x1c5: {  	s1 =	ssub.s32 @!p0 $0x0, s1;
	[sflag:s0] =	ssyncset.done @!p0 $0x0  }
0x1c6: {  	[sflag:s0] =	ssyncadd.s32 @!p0 s1  }
0x1c7: {  	[bflag:$0x3] =	sbarrier.arrive $0xFFFF  }
0x1c8: {  	_ =	shalt  }

</sc_bundles>
